<compile_context>
chip_gen: v7x
topology: tpu7x:2x2x1
jax: 0.10.2.dev20260603
libtpu: 0.0.44.dev20260713+nightly
codegen_flags: <defaults>
</compile_context>

<pallas_src>
import functools

import jax
import jax.numpy as jnp
from jax import lax
from jax.experimental import pallas as pl
from jax.experimental.pallas import tpu as pltpu
from jax.experimental.pallas import tpu_sc as plsc

NUM_CORES = 2
NUM_SUBCORES = 16
NUM_WORKERS = NUM_CORES * NUM_SUBCORES
BLK = 128


@functools.lru_cache(maxsize=None)
def _make_kernel(NI: int, NJ: int, D: int):
    blocks_per_j = NI // BLK
    n_blocks = blocks_per_j * NJ
    per_w = n_blocks // NUM_WORKERS
    mesh = plsc.VectorSubcoreMesh(core_axis_name="c", subcore_axis_name="s")

    scratch = (
        [pltpu.VMEM((BLK,), jnp.int32) for _ in range(2)]
        + [pltpu.VMEM((BLK, D), jnp.float32) for _ in range(2)]
        + [pltpu.VMEM((D // 8, 1, 8, BLK), jnp.float32) for _ in range(2)]
        + [pltpu.SemaphoreType.DMA] * 6
    )

    @functools.partial(
        pl.kernel,
        mesh=mesh,
        out_type=jax.ShapeDtypeStruct((NJ, D // 8, blocks_per_j, 8, BLK),
                                      jnp.float32),
        scratch_types=scratch,
        compiler_params=pltpu.CompilerParams(
            use_tc_tiling_on_sc=False, needs_layout_passes=False),
    )
    def emb_kernel(xT_hbm, table_hbm, out_hbm, i0, i1, r0, r1, t0, t1,
                   si0, si1, sg0, sg1, ss0, ss1):
        idx_b = (i0, i1)
        rows_b = (r0, r1)
        rowsT_b = (t0, t1)
        si = (si0, si1)
        sg = (sg0, sg1)
        ss = (ss0, ss1)

        w = lax.axis_index("s") * NUM_CORES + lax.axis_index("c")
        base = w * per_w

        dim_sel = (lax.iota(jnp.int32, 16), lax.iota(jnp.int32, 16) + 16)
        a_sel = tuple(s // 8 for s in dim_sel)
        dd_sel = tuple(s % 8 for s in dim_sel)
        z_sel = jnp.zeros((16,), jnp.int32)

        def idx_cp(g, p):
            j = g // blocks_per_j
            b = g % blocks_per_j
            return pltpu.make_async_copy(
                xT_hbm.at[j, pl.ds(b * BLK, BLK)], idx_b[p], si[p])

        def gather_cp(p):
            return pltpu.make_async_copy(table_hbm.at[idx_b[p]], rows_b[p], sg[p])

        def store_cp(g, p):
            j = g // blocks_per_j
            b = g % blocks_per_j
            return pltpu.make_async_copy(
                rowsT_b[p], out_hbm.at[j, :, pl.ds(b, 1), :, :], ss[p])

        idx_cp(base + 0, 0).start()
        idx_cp(base + 1, 1).start()
        idx_cp(base + 0, 0).wait()
        gather_cp(0).start()

        def body(i, carry):
            for p in (0, 1):
                blk = 2 * i + p
                g = base + blk
                p1 = p ^ 1

                @pl.when(blk + 1 <= per_w - 1)
                def _():
                    idx_cp(g + 1, p1).wait()
                    gather_cp(p1).start()

                gather_cp(p).wait()

                @pl.when(blk + 2 <= per_w - 1)
                def _():
                    idx_cp(g + 2, p).start()

                @pl.when(blk >= 2)
                def _():
                    store_cp(g - 2, p).wait()

                @plsc.parallel_loop(0, BLK, 1, unroll=16)
                def _(r):
                    col_r = jnp.full((16,), r, jnp.int32)
                    for h in (0, 1):
                        v = rows_b[p][r, pl.ds(16 * h, 16)]
                        plsc.store_scatter(
                            rowsT_b[p], [a_sel[h], z_sel, dd_sel[h], col_r], v)

                store_cp(g, p).start()
            return carry

        lax.fori_loop(0, per_w // 2, body, 0)
        store_cp(base + per_w - 2, 0).wait()
        store_cp(base + per_w - 1, 1).wait()

    return emb_kernel


def kernel(x, embd):
    NI, NJ = x.shape
    D = embd.shape[1]
    xT = x.T.astype(jnp.int32)
    outP = _make_kernel(NI, NJ, D)(xT, embd)
    out = jnp.transpose(outP, (2, 4, 0, 1, 3)).reshape(NI, NJ, D)
    return out

# --- scband reference (transcript-rebuilt; emitter-appended) ---
"""Pipeline reference for scband-toy-embedding-33492154974628 (READ-ONLY COPY).

The authoritative reference and input builder live on the scoring server;
editing this copy changes nothing except your own understanding.
"""

import jax, jax.numpy as jnp
import numpy as np

NUM_EMBD = 1000000
EMBD_DIM = 32


def setup_inputs(seed: int = 0) -> dict:
    key = jax.random.key(seed)
    k1, k2 = jax.random.split(key)
    x = jax.random.randint(k1, (16384, 50), 0, NUM_EMBD, dtype=jnp.int64 if jax.config.jax_enable_x64 else jnp.int32)
    # trunc_normal init approximated with clipped normal (trunc at +/-2 like torch default)
    embd = jnp.clip(jax.random.normal(k2, (NUM_EMBD, EMBD_DIM), dtype=jnp.float32), -2.0, 2.0)
    return {"x": x, "embd": embd}


def reference(x, embd):
    # toy_Embedding.forward: self.embd[x]
    return jnp.take(embd, x, axis=0)

if __name__ == "__main__":
    import jax
    _d = setup_inputs()
    print(jax.jit(kernel)(*tuple(_d.values())))

</pallas_src>

<mosaic_0001>
#map = affine_map<(d0, d1) -> (0, 0)>
#map1 = affine_map<(d0, d1) -> (0, 0, 0, 0, 0)>
module attributes {stable_mosaic.version = 14 : i64} {
  func.func @emb_kernel(%arg0: i32, %arg1: i32, %arg2: memref<50x16384xi32, #tpu.memory_space<hbm>>, %arg3: memref<1000000x32xf32, #tpu.memory_space<hbm>>, %arg4: memref<50x4x128x8x128xf32, #tpu.memory_space<hbm>>, %arg5: memref<128xi32, #tpu.memory_space<vmem>>, %arg6: memref<128xi32, #tpu.memory_space<vmem>>, %arg7: memref<128x32xf32, #tpu.memory_space<vmem>>, %arg8: memref<128x32xf32, #tpu.memory_space<vmem>>, %arg9: memref<4x1x8x128xf32, #tpu.memory_space<vmem>>, %arg10: memref<4x1x8x128xf32, #tpu.memory_space<vmem>>, %arg11: memref<!tpu.dma_semaphore, #tpu.memory_space<semaphore_mem>>, %arg12: memref<!tpu.dma_semaphore, #tpu.memory_space<semaphore_mem>>, %arg13: memref<!tpu.dma_semaphore, #tpu.memory_space<semaphore_mem>>, %arg14: memref<!tpu.dma_semaphore, #tpu.memory_space<semaphore_mem>>, %arg15: memref<!tpu.dma_semaphore, #tpu.memory_space<semaphore_mem>>, %arg16: memref<!tpu.dma_semaphore, #tpu.memory_space<semaphore_mem>>) attributes {dimension_semantics = [#tpu.dimension_semantics<core_parallel>, #tpu.dimension_semantics<subcore_parallel>], iteration_bounds = array<i64: 2, 16>, scalar_prefetch = 0 : i64, scratch_operands = 12 : i64, tpu.core_type = #tpu.core_type<sc_vector_subcore>, window_params = [{transform_indices = #map}, {transform_indices = #map}, {transform_indices = #map1}]} {
    %mul3A = arith.constant 2 : i32
    %mul3A_0 = arith.muli %arg1, %mul3A : i32
    %add3A = arith.addi %mul3A_0, %arg0 : i32
    %mul3A_1 = arith.constant 200 : i32
    %mul3A_2 = arith.muli %add3A, %mul3A_1 : i32
    %iota3A = tpu.iota {dimensions = array<i32: 0>} : vector<16xi32>
    %iota3A_3 = tpu.iota {dimensions = array<i32: 0>} : vector<16xi32>
    %add3A_4 = arith.constant 16 : i32
    %add3A_5 = vector.broadcast %add3A_4 : i32 to vector<16xi32>
    %add3A_6 = arith.addi %iota3A_3, %add3A_5 : vector<16xi32>
    %jit3A = arith.constant 8 : i32
    %div3A = vector.broadcast %jit3A : i32 to vector<16xi32>
    %div3A_7 = arith.divsi %iota3A, %div3A : vector<16xi32>
    %sign3A = arith.constant 0 : i32
    %sign3A_8 = vector.broadcast %sign3A : i32 to vector<16xi32>
    %sign3A_9 = arith.cmpi sgt, %iota3A, %sign3A_8 : vector<16xi32>
    %sign3A_10 = arith.extui %sign3A_9 : vector<16xi1> to vector<16xi32>
    %sign3A_11 = arith.constant 0 : i32
    %sign3A_12 = vector.broadcast %sign3A_11 : i32 to vector<16xi32>
    %sign3A_13 = arith.cmpi slt, %iota3A, %sign3A_12 : vector<16xi32>
    %sign3A_14 = arith.extui %sign3A_13 : vector<16xi1> to vector<16xi32>
    %sign3A_15 = arith.subi %sign3A_10, %sign3A_14 : vector<16xi32>
    %sign3A_16 = arith.constant 0 : i32
    %sign3A_17 = arith.cmpi sgt, %jit3A, %sign3A_16 : i32
    %sign3A_18 = arith.extui %sign3A_17 : i1 to i32
    %sign3A_19 = arith.constant 0 : i32
    %sign3A_20 = arith.cmpi slt, %jit3A, %sign3A_19 : i32
    %sign3A_21 = arith.extui %sign3A_20 : i1 to i32
    %sign3A_22 = arith.subi %sign3A_18, %sign3A_21 : i32
    %ne3A = vector.broadcast %sign3A_22 : i32 to vector<16xi32>
    %ne3A_23 = arith.cmpi ne, %sign3A_15, %ne3A : vector<16xi32>
    %rem3A = vector.broadcast %jit3A : i32 to vector<16xi32>
    %rem3A_24 = arith.remsi %iota3A, %rem3A : vector<16xi32>
    %ne3A_25 = arith.constant 0 : i32
    %ne3A_26 = vector.broadcast %ne3A_25 : i32 to vector<16xi32>
    %ne3A_27 = arith.cmpi ne, %rem3A_24, %ne3A_26 : vector<16xi32>
    %and3A = arith.andi %ne3A_23, %ne3A_27 : vector<16xi1>
    %sub3A = arith.constant 1 : i32
    %sub3A_28 = vector.broadcast %sub3A : i32 to vector<16xi32>
    %sub3A_29 = arith.subi %div3A_7, %sub3A_28 : vector<16xi32>
    %select_n3A = arith.select %and3A, %sub3A_29, %div3A_7 : vector<16xi1>, vector<16xi32>
    %jit3A_30 = arith.constant 8 : i32
    %div3A_31 = vector.broadcast %jit3A_30 : i32 to vector<16xi32>
    %div3A_32 = arith.divsi %add3A_6, %div3A_31 : vector<16xi32>
    %sign3A_33 = arith.constant 0 : i32
    %sign3A_34 = vector.broadcast %sign3A_33 : i32 to vector<16xi32>
    %sign3A_35 = arith.cmpi sgt, %add3A_6, %sign3A_34 : vector<16xi32>
    %sign3A_36 = arith.extui %sign3A_35 : vector<16xi1> to vector<16xi32>
    %sign3A_37 = arith.constant 0 : i32
    %sign3A_38 = vector.broadcast %sign3A_37 : i32 to vector<16xi32>
    %sign3A_39 = arith.cmpi slt, %add3A_6, %sign3A_38 : vector<16xi32>
    %sign3A_40 = arith.extui %sign3A_39 : vector<16xi1> to vector<16xi32>
    %sign3A_41 = arith.subi %sign3A_36, %sign3A_40 : vector<16xi32>
    %sign3A_42 = arith.constant 0 : i32
    %sign3A_43 = arith.cmpi sgt, %jit3A_30, %sign3A_42 : i32
    %sign3A_44 = arith.extui %sign3A_43 : i1 to i32
    %sign3A_45 = arith.constant 0 : i32
    %sign3A_46 = arith.cmpi slt, %jit3A_30, %sign3A_45 : i32
    %sign3A_47 = arith.extui %sign3A_46 : i1 to i32
    %sign3A_48 = arith.subi %sign3A_44, %sign3A_47 : i32
    %ne3A_49 = vector.broadcast %sign3A_48 : i32 to vector<16xi32>
    %ne3A_50 = arith.cmpi ne, %sign3A_41, %ne3A_49 : vector<16xi32>
    %rem3A_51 = vector.broadcast %jit3A_30 : i32 to vector<16xi32>
    %rem3A_52 = arith.remsi %add3A_6, %rem3A_51 : vector<16xi32>
    %ne3A_53 = arith.constant 0 : i32
    %ne3A_54 = vector.broadcast %ne3A_53 : i32 to vector<16xi32>
    %ne3A_55 = arith.cmpi ne, %rem3A_52, %ne3A_54 : vector<16xi32>
    %and3A_56 = arith.andi %ne3A_50, %ne3A_55 : vector<16xi1>
    %sub3A_57 = arith.constant 1 : i32
    %sub3A_58 = vector.broadcast %sub3A_57 : i32 to vector<16xi32>
    %sub3A_59 = arith.subi %div3A_32, %sub3A_58 : vector<16xi32>
    %select_n3A_60 = arith.select %and3A_56, %sub3A_59, %div3A_32 : vector<16xi1>, vector<16xi32>
    %jit3A_61 = arith.constant 8 : i32
    %eq3A = arith.constant 0 : i32
    %eq3A_62 = arith.cmpi eq, %jit3A_61, %eq3A : i32
    %jit3A_63 = arith.constant 1 : i32
    %select_n3A_64 = arith.select %eq3A_62, %jit3A_63, %jit3A_61 : i32
    %rem3A_65 = vector.broadcast %select_n3A_64 : i32 to vector<16xi32>
    %rem3A_66 = arith.remsi %iota3A, %rem3A_65 : vector<16xi32>
    %ne3A_67 = arith.constant 0 : i32
    %ne3A_68 = vector.broadcast %ne3A_67 : i32 to vector<16xi32>
    %ne3A_69 = arith.cmpi ne, %rem3A_66, %ne3A_68 : vector<16xi32>
    %lt3A = arith.constant 0 : i32
    %lt3A_70 = vector.broadcast %lt3A : i32 to vector<16xi32>
    %lt3A_71 = arith.cmpi slt, %rem3A_66, %lt3A_70 : vector<16xi32>
    %lt3A_72 = arith.constant 0 : i32
    %lt3A_73 = arith.cmpi slt, %select_n3A_64, %lt3A_72 : i32
    %ne3A_74 = vector.broadcast %lt3A_73 : i1 to vector<16xi1>
    %ne3A_75 = vector.broadcast %ne3A_74 : vector<16xi1> to vector<16xi1>
    %ne3A_76 = arith.xori %lt3A_71, %ne3A_75 : vector<16xi1>
    %and3A_77 = arith.andi %ne3A_76, %ne3A_69 : vector<16xi1>
    %add3A_78 = vector.broadcast %select_n3A_64 : i32 to vector<16xi32>
    %add3A_79 = arith.addi %rem3A_66, %add3A_78 : vector<16xi32>
    %select_n3A_80 = arith.select %and3A_77, %add3A_79, %rem3A_66 : vector<16xi1>, vector<16xi32>
    %jit3A_81 = arith.constant 8 : i32
    %eq3A_82 = arith.constant 0 : i32
    %eq3A_83 = arith.cmpi eq, %jit3A_81, %eq3A_82 : i32
    %jit3A_84 = arith.constant 1 : i32
    %select_n3A_85 = arith.select %eq3A_83, %jit3A_84, %jit3A_81 : i32
    %rem3A_86 = vector.broadcast %select_n3A_85 : i32 to vector<16xi32>
    %rem3A_87 = arith.remsi %add3A_6, %rem3A_86 : vector<16xi32>
    %ne3A_88 = arith.constant 0 : i32
    %ne3A_89 = vector.broadcast %ne3A_88 : i32 to vector<16xi32>
    %ne3A_90 = arith.cmpi ne, %rem3A_87, %ne3A_89 : vector<16xi32>
    %lt3A_91 = arith.constant 0 : i32
    %lt3A_92 = vector.broadcast %lt3A_91 : i32 to vector<16xi32>
    %lt3A_93 = arith.cmpi slt, %rem3A_87, %lt3A_92 : vector<16xi32>
    %lt3A_94 = arith.constant 0 : i32
    %lt3A_95 = arith.cmpi slt, %select_n3A_85, %lt3A_94 : i32
    %ne3A_96 = vector.broadcast %lt3A_95 : i1 to vector<16xi1>
    %ne3A_97 = vector.broadcast %ne3A_96 : vector<16xi1> to vector<16xi1>
    %ne3A_98 = arith.xori %lt3A_93, %ne3A_97 : vector<16xi1>
    %and3A_99 = arith.andi %ne3A_98, %ne3A_90 : vector<16xi1>
    %add3A_100 = vector.broadcast %select_n3A_85 : i32 to vector<16xi32>
    %add3A_101 = arith.addi %rem3A_87, %add3A_100 : vector<16xi32>
    %select_n3A_102 = arith.select %and3A_99, %add3A_101, %rem3A_87 : vector<16xi1>, vector<16xi32>
    %broadcast_in_dim3A = arith.constant 0 : i32
    %broadcast_in_dim3A_103 = vector.broadcast %broadcast_in_dim3A : i32 to vector<16xi32>
    %add3A_104 = arith.constant 0 : i32
    %add3A_105 = arith.addi %mul3A_2, %add3A_104 : i32
    %jit3A_106 = arith.constant 128 : i32
    %div3A_107 = arith.divsi %add3A_105, %jit3A_106 : i32
    %sign3A_108 = arith.constant 0 : i32
    %sign3A_109 = arith.cmpi sgt, %add3A_105, %sign3A_108 : i32
    %sign3A_110 = arith.extui %sign3A_109 : i1 to i32
    %sign3A_111 = arith.constant 0 : i32
    %sign3A_112 = arith.cmpi slt, %add3A_105, %sign3A_111 : i32
    %sign3A_113 = arith.extui %sign3A_112 : i1 to i32
    %sign3A_114 = arith.subi %sign3A_110, %sign3A_113 : i32
    %sign3A_115 = arith.constant 0 : i32
    %sign3A_116 = arith.cmpi sgt, %jit3A_106, %sign3A_115 : i32
    %sign3A_117 = arith.extui %sign3A_116 : i1 to i32
    %sign3A_118 = arith.constant 0 : i32
    %sign3A_119 = arith.cmpi slt, %jit3A_106, %sign3A_118 : i32
    %sign3A_120 = arith.extui %sign3A_119 : i1 to i32
    %sign3A_121 = arith.subi %sign3A_117, %sign3A_120 : i32
    %ne3A_122 = arith.cmpi ne, %sign3A_114, %sign3A_121 : i32
    %rem3A_123 = arith.remsi %add3A_105, %jit3A_106 : i32
    %ne3A_124 = arith.constant 0 : i32
    %ne3A_125 = arith.cmpi ne, %rem3A_123, %ne3A_124 : i32
    %and3A_126 = arith.andi %ne3A_122, %ne3A_125 : i1
    %sub3A_127 = arith.constant 1 : i32
    %sub3A_128 = arith.subi %div3A_107, %sub3A_127 : i32
    %select_n3A_129 = arith.select %and3A_126, %sub3A_128, %div3A_107 : i32
    %jit3A_130 = arith.constant 128 : i32
    %eq3A_131 = arith.constant 0 : i32
    %eq3A_132 = arith.cmpi eq, %jit3A_130, %eq3A_131 : i32
    %jit3A_133 = arith.constant 1 : i32
    %select_n3A_134 = arith.select %eq3A_132, %jit3A_133, %jit3A_130 : i32
    %rem3A_135 = arith.remsi %add3A_105, %select_n3A_134 : i32
    %ne3A_136 = arith.constant 0 : i32
    %ne3A_137 = arith.cmpi ne, %rem3A_135, %ne3A_136 : i32
    %lt3A_138 = arith.constant 0 : i32
    %lt3A_139 = arith.cmpi slt, %rem3A_135, %lt3A_138 : i32
    %lt3A_140 = arith.constant 0 : i32
    %lt3A_141 = arith.cmpi slt, %select_n3A_134, %lt3A_140 : i32
    %ne3A_142 = arith.xori %lt3A_139, %lt3A_141 : i1
    %and3A_143 = arith.andi %ne3A_142, %ne3A_137 : i1
    %add3A_144 = arith.addi %rem3A_135, %select_n3A_134 : i32
    %select_n3A_145 = arith.select %and3A_143, %add3A_144, %rem3A_135 : i32
    %mul3A_146 = arith.constant 128 : i32
    %mul3A_147 = arith.muli %select_n3A_145, %mul3A_146 : i32
    %dma_start3A = tpu.memref_slice %arg2[%select_n3A_129, %mul3A_147] : memref<50x16384xi32, #tpu.memory_space<hbm>> -> memref<1x128xi32, #tpu.memory_space<hbm>>
    %dma_start3A_148 = tpu.memref_squeeze %dma_start3A : memref<1x128xi32, #tpu.memory_space<hbm>> -> memref<128xi32, #tpu.memory_space<hbm>>
    %dma_start3A_149 = tpu.memref_slice %arg2[%select_n3A_129, %mul3A_147] : memref<50x16384xi32, #tpu.memory_space<hbm>> -> memref<1x128xi32, #tpu.memory_space<hbm>>
    %dma_start3A_150 = tpu.memref_squeeze %dma_start3A_149 : memref<1x128xi32, #tpu.memory_space<hbm>> -> memref<128xi32, #tpu.memory_space<hbm>>
    tpu.enqueue_dma source(%dma_start3A_150 : memref<128xi32, #tpu.memory_space<hbm>>) target(%arg5 : memref<128xi32, #tpu.memory_space<vmem>>) target_semaphore(%arg11 : memref<!tpu.dma_semaphore, #tpu.memory_space<semaphore_mem>>)
    %add3A_151 = arith.constant 1 : i32
    %add3A_152 = arith.addi %mul3A_2, %add3A_151 : i32
    %jit3A_153 = arith.constant 128 : i32
    %div3A_154 = arith.divsi %add3A_152, %jit3A_153 : i32
    %sign3A_155 = arith.constant 0 : i32
    %sign3A_156 = arith.cmpi sgt, %add3A_152, %sign3A_155 : i32
    %sign3A_157 = arith.extui %sign3A_156 : i1 to i32
    %sign3A_158 = arith.constant 0 : i32
    %sign3A_159 = arith.cmpi slt, %add3A_152, %sign3A_158 : i32
    %sign3A_160 = arith.extui %sign3A_159 : i1 to i32
    %sign3A_161 = arith.subi %sign3A_157, %sign3A_160 : i32
    %sign3A_162 = arith.constant 0 : i32
    %sign3A_163 = arith.cmpi sgt, %jit3A_153, %sign3A_162 : i32
    %sign3A_164 = arith.extui %sign3A_163 : i1 to i32
    %sign3A_165 = arith.constant 0 : i32
    %sign3A_166 = arith.cmpi slt, %jit3A_153, %sign3A_165 : i32
    %sign3A_167 = arith.extui %sign3A_166 : i1 to i32
    %sign3A_168 = arith.subi %sign3A_164, %sign3A_167 : i32
    %ne3A_169 = arith.cmpi ne, %sign3A_161, %sign3A_168 : i32
    %rem3A_170 = arith.remsi %add3A_152, %jit3A_153 : i32
    %ne3A_171 = arith.constant 0 : i32
    %ne3A_172 = arith.cmpi ne, %rem3A_170, %ne3A_171 : i32
    %and3A_173 = arith.andi %ne3A_169, %ne3A_172 : i1
    %sub3A_174 = arith.constant 1 : i32
    %sub3A_175 = arith.subi %div3A_154, %sub3A_174 : i32
    %select_n3A_176 = arith.select %and3A_173, %sub3A_175, %div3A_154 : i32
    %jit3A_177 = arith.constant 128 : i32
    %eq3A_178 = arith.constant 0 : i32
    %eq3A_179 = arith.cmpi eq, %jit3A_177, %eq3A_178 : i32
    %jit3A_180 = arith.constant 1 : i32
    %select_n3A_181 = arith.select %eq3A_179, %jit3A_180, %jit3A_177 : i32
    %rem3A_182 = arith.remsi %add3A_152, %select_n3A_181 : i32
    %ne3A_183 = arith.constant 0 : i32
    %ne3A_184 = arith.cmpi ne, %rem3A_182, %ne3A_183 : i32
    %lt3A_185 = arith.constant 0 : i32
    %lt3A_186 = arith.cmpi slt, %rem3A_182, %lt3A_185 : i32
    %lt3A_187 = arith.constant 0 : i32
    %lt3A_188 = arith.cmpi slt, %select_n3A_181, %lt3A_187 : i32
    %ne3A_189 = arith.xori %lt3A_186, %lt3A_188 : i1
    %and3A_190 = arith.andi %ne3A_189, %ne3A_184 : i1
    %add3A_191 = arith.addi %rem3A_182, %select_n3A_181 : i32
    %select_n3A_192 = arith.select %and3A_190, %add3A_191, %rem3A_182 : i32
    %mul3A_193 = arith.constant 128 : i32
    %mul3A_194 = arith.muli %select_n3A_192, %mul3A_193 : i32
    %dma_start3A_195 = tpu.memref_slice %arg2[%select_n3A_176, %mul3A_194] : memref<50x16384xi32, #tpu.memory_space<hbm>> -> memref<1x128xi32, #tpu.memory_space<hbm>>
    %dma_start3A_196 = tpu.memref_squeeze %dma_start3A_195 : memref<1x128xi32, #tpu.memory_space<hbm>> -> memref<128xi32, #tpu.memory_space<hbm>>
    %dma_start3A_197 = tpu.memref_slice %arg2[%select_n3A_176, %mul3A_194] : memref<50x16384xi32, #tpu.memory_space<hbm>> -> memref<1x128xi32, #tpu.memory_space<hbm>>
    %dma_start3A_198 = tpu.memref_squeeze %dma_start3A_197 : memref<1x128xi32, #tpu.memory_space<hbm>> -> memref<128xi32, #tpu.memory_space<hbm>>
    tpu.enqueue_dma source(%dma_start3A_198 : memref<128xi32, #tpu.memory_space<hbm>>) target(%arg6 : memref<128xi32, #tpu.memory_space<vmem>>) target_semaphore(%arg12 : memref<!tpu.dma_semaphore, #tpu.memory_space<semaphore_mem>>)
    %add3A_199 = arith.constant 0 : i32
    %add3A_200 = arith.addi %mul3A_2, %add3A_199 : i32
    %jit3A_201 = arith.constant 128 : i32
    %div3A_202 = arith.divsi %add3A_200, %jit3A_201 : i32
    %sign3A_203 = arith.constant 0 : i32
    %sign3A_204 = arith.cmpi sgt, %add3A_200, %sign3A_203 : i32
    %sign3A_205 = arith.extui %sign3A_204 : i1 to i32
    %sign3A_206 = arith.constant 0 : i32
    %sign3A_207 = arith.cmpi slt, %add3A_200, %sign3A_206 : i32
    %sign3A_208 = arith.extui %sign3A_207 : i1 to i32
    %sign3A_209 = arith.subi %sign3A_205, %sign3A_208 : i32
    %sign3A_210 = arith.constant 0 : i32
    %sign3A_211 = arith.cmpi sgt, %jit3A_201, %sign3A_210 : i32
    %sign3A_212 = arith.extui %sign3A_211 : i1 to i32
    %sign3A_213 = arith.constant 0 : i32
    %sign3A_214 = arith.cmpi slt, %jit3A_201, %sign3A_213 : i32
    %sign3A_215 = arith.extui %sign3A_214 : i1 to i32
    %sign3A_216 = arith.subi %sign3A_212, %sign3A_215 : i32
    %ne3A_217 = arith.cmpi ne, %sign3A_209, %sign3A_216 : i32
    %rem3A_218 = arith.remsi %add3A_200, %jit3A_201 : i32
    %ne3A_219 = arith.constant 0 : i32
    %ne3A_220 = arith.cmpi ne, %rem3A_218, %ne3A_219 : i32
    %and3A_221 = arith.andi %ne3A_217, %ne3A_220 : i1
    %sub3A_222 = arith.constant 1 : i32
    %sub3A_223 = arith.subi %div3A_202, %sub3A_222 : i32
    %select_n3A_224 = arith.select %and3A_221, %sub3A_223, %div3A_202 : i32
    %jit3A_225 = arith.constant 128 : i32
    %eq3A_226 = arith.constant 0 : i32
    %eq3A_227 = arith.cmpi eq, %jit3A_225, %eq3A_226 : i32
    %jit3A_228 = arith.constant 1 : i32
    %select_n3A_229 = arith.select %eq3A_227, %jit3A_228, %jit3A_225 : i32
    %rem3A_230 = arith.remsi %add3A_200, %select_n3A_229 : i32
    %ne3A_231 = arith.constant 0 : i32
    %ne3A_232 = arith.cmpi ne, %rem3A_230, %ne3A_231 : i32
    %lt3A_233 = arith.constant 0 : i32
    %lt3A_234 = arith.cmpi slt, %rem3A_230, %lt3A_233 : i32
    %lt3A_235 = arith.constant 0 : i32
    %lt3A_236 = arith.cmpi slt, %select_n3A_229, %lt3A_235 : i32
    %ne3A_237 = arith.xori %lt3A_234, %lt3A_236 : i1
    %and3A_238 = arith.andi %ne3A_237, %ne3A_232 : i1
    %add3A_239 = arith.addi %rem3A_230, %select_n3A_229 : i32
    %select_n3A_240 = arith.select %and3A_238, %add3A_239, %rem3A_230 : i32
    %mul3A_241 = arith.constant 128 : i32
    %mul3A_242 = arith.muli %select_n3A_240, %mul3A_241 : i32
    %dma_wait3A = tpu.memref_slice %arg2[%select_n3A_224, %mul3A_242] : memref<50x16384xi32, #tpu.memory_space<hbm>> -> memref<1x128xi32, #tpu.memory_space<hbm>>
    %dma_wait3A_243 = tpu.memref_squeeze %dma_wait3A : memref<1x128xi32, #tpu.memory_space<hbm>> -> memref<128xi32, #tpu.memory_space<hbm>>
    %dma_wait3A_244 = tpu.memref_slice %arg2[%select_n3A_224, %mul3A_242] : memref<50x16384xi32, #tpu.memory_space<hbm>> -> memref<1x128xi32, #tpu.memory_space<hbm>>
    %dma_wait3A_245 = tpu.memref_squeeze %dma_wait3A_244 : memref<1x128xi32, #tpu.memory_space<hbm>> -> memref<128xi32, #tpu.memory_space<hbm>>
    tpu.wait_dma2 semaphore(%arg11 : memref<!tpu.dma_semaphore, #tpu.memory_space<semaphore_mem>>) src(%dma_wait3A_245 : memref<128xi32, #tpu.memory_space<hbm>>) dst(%arg5 : memref<128xi32, #tpu.memory_space<vmem>>)
    %dma_start3A_246 = arith.constant 0 : i32
    %dma_start3A_247 = arith.constant 0 : i32
    %dma_start3A_248 = tpu.memref_slice %arg3[%dma_start3A_246, %dma_start3A_247] : memref<1000000x32xf32, #tpu.memory_space<hbm>> -> memref<1000000x32xf32, #tpu.memory_space<hbm>>
    tpu.enqueue_indirect_dma source(%dma_start3A_248 : memref<1000000x32xf32, #tpu.memory_space<hbm>>) target(%arg7 : memref<128x32xf32, #tpu.memory_space<vmem>>) offsets(%arg5 : memref<128xi32, #tpu.memory_space<vmem>>) semaphore(%arg13 : memref<!tpu.dma_semaphore, #tpu.memory_space<semaphore_mem>>)
    %scan3A = arith.constant 0 : i32
    %scan3A_249 = arith.constant 0 : i32
    %scan3A_250 = arith.constant 100 : i32
    %scan3A_251 = arith.addi %scan3A_249, %scan3A_250 : i32
    %scan3A_252 = arith.constant 1 : i32
    scf.for %scan3A_362 = %scan3A_249 to %scan3A_251 step %scan3A_252  : i32 {
      %mul3A_363 = arith.constant 2 : i32
      %mul3A_364 = arith.muli %mul3A_363, %scan3A_362 : i32
      %add3A_365 = arith.constant 0 : i32
      %add3A_366 = arith.addi %mul3A_364, %add3A_365 : i32
      %add3A_367 = arith.addi %mul3A_2, %add3A_366 : i32
      %add3A_368 = arith.constant 1 : i32
      %add3A_369 = arith.addi %add3A_366, %add3A_368 : i32
      %le3A = arith.constant 199 : i32
      %le3A_370 = arith.cmpi sle, %add3A_369, %le3A : i32
      %convert_element_type3A = arith.extui %le3A_370 : i1 to i32
      %cond3A = arith.constant 0 : i32
      %cond3A_371 = arith.cmpi ne, %convert_element_type3A, %cond3A : i32
      scf.if %cond3A_371 {
        %add3A_518 = arith.constant 1 : i32
        %add3A_519 = arith.addi %add3A_367, %add3A_518 : i32
        %jit3A_520 = arith.constant 128 : i32
        %div3A_521 = arith.divsi %add3A_519, %jit3A_520 : i32
        %sign3A_522 = arith.constant 0 : i32
        %sign3A_523 = arith.cmpi sgt, %add3A_519, %sign3A_522 : i32
        %sign3A_524 = arith.extui %sign3A_523 : i1 to i32
        %sign3A_525 = arith.constant 0 : i32
        %sign3A_526 = arith.cmpi slt, %add3A_519, %sign3A_525 : i32
        %sign3A_527 = arith.extui %sign3A_526 : i1 to i32
        %sign3A_528 = arith.subi %sign3A_524, %sign3A_527 : i32
        %sign3A_529 = arith.constant 0 : i32
        %sign3A_530 = arith.cmpi sgt, %jit3A_520, %sign3A_529 : i32
        %sign3A_531 = arith.extui %sign3A_530 : i1 to i32
        %sign3A_532 = arith.constant 0 : i32
        %sign3A_533 = arith.cmpi slt, %jit3A_520, %sign3A_532 : i32
        %sign3A_534 = arith.extui %sign3A_533 : i1 to i32
        %sign3A_535 = arith.subi %sign3A_531, %sign3A_534 : i32
        %ne3A_536 = arith.cmpi ne, %sign3A_528, %sign3A_535 : i32
        %rem3A_537 = arith.remsi %add3A_519, %jit3A_520 : i32
        %ne3A_538 = arith.constant 0 : i32
        %ne3A_539 = arith.cmpi ne, %rem3A_537, %ne3A_538 : i32
        %and3A_540 = arith.andi %ne3A_536, %ne3A_539 : i1
        %sub3A_541 = arith.constant 1 : i32
        %sub3A_542 = arith.subi %div3A_521, %sub3A_541 : i32
        %select_n3A_543 = arith.select %and3A_540, %sub3A_542, %div3A_521 : i32
        %jit3A_544 = arith.constant 128 : i32
        %eq3A_545 = arith.constant 0 : i32
        %eq3A_546 = arith.cmpi eq, %jit3A_544, %eq3A_545 : i32
        %jit3A_547 = arith.constant 1 : i32
        %select_n3A_548 = arith.select %eq3A_546, %jit3A_547, %jit3A_544 : i32
        %rem3A_549 = arith.remsi %add3A_519, %select_n3A_548 : i32
        %ne3A_550 = arith.constant 0 : i32
        %ne3A_551 = arith.cmpi ne, %rem3A_549, %ne3A_550 : i32
        %lt3A_552 = arith.constant 0 : i32
        %lt3A_553 = arith.cmpi slt, %rem3A_549, %lt3A_552 : i32
        %lt3A_554 = arith.constant 0 : i32
        %lt3A_555 = arith.cmpi slt, %select_n3A_548, %lt3A_554 : i32
        %ne3A_556 = arith.xori %lt3A_553, %lt3A_555 : i1
        %and3A_557 = arith.andi %ne3A_556, %ne3A_551 : i1
        %add3A_558 = arith.addi %rem3A_549, %select_n3A_548 : i32
        %select_n3A_559 = arith.select %and3A_557, %add3A_558, %rem3A_549 : i32
        %mul3A_560 = arith.constant 128 : i32
        %mul3A_561 = arith.muli %select_n3A_559, %mul3A_560 : i32
        %dma_wait3A_562 = tpu.memref_slice %arg2[%select_n3A_543, %mul3A_561] : memref<50x16384xi32, #tpu.memory_space<hbm>> -> memref<1x128xi32, #tpu.memory_space<hbm>>
        %dma_wait3A_563 = tpu.memref_squeeze %dma_wait3A_562 : memref<1x128xi32, #tpu.memory_space<hbm>> -> memref<128xi32, #tpu.memory_space<hbm>>
        %dma_wait3A_564 = tpu.memref_slice %arg2[%select_n3A_543, %mul3A_561] : memref<50x16384xi32, #tpu.memory_space<hbm>> -> memref<1x128xi32, #tpu.memory_space<hbm>>
        %dma_wait3A_565 = tpu.memref_squeeze %dma_wait3A_564 : memref<1x128xi32, #tpu.memory_space<hbm>> -> memref<128xi32, #tpu.memory_space<hbm>>
        tpu.wait_dma2 semaphore(%arg12 : memref<!tpu.dma_semaphore, #tpu.memory_space<semaphore_mem>>) src(%dma_wait3A_565 : memref<128xi32, #tpu.memory_space<hbm>>) dst(%arg6 : memref<128xi32, #tpu.memory_space<vmem>>)
        %dma_start3A_566 = arith.constant 0 : i32
        %dma_start3A_567 = arith.constant 0 : i32
        %dma_start3A_568 = tpu.memref_slice %arg3[%dma_start3A_566, %dma_start3A_567] : memref<1000000x32xf32, #tpu.memory_space<hbm>> -> memref<1000000x32xf32, #tpu.memory_space<hbm>>
        tpu.enqueue_indirect_dma source(%dma_start3A_568 : memref<1000000x32xf32, #tpu.memory_space<hbm>>) target(%arg8 : memref<128x32xf32, #tpu.memory_space<vmem>>) offsets(%arg6 : memref<128xi32, #tpu.memory_space<vmem>>) semaphore(%arg14 : memref<!tpu.dma_semaphore, #tpu.memory_space<semaphore_mem>>)
      } else {
      }
      %dma_wait3A_372 = arith.constant 0 : i32
      %dma_wait3A_373 = arith.constant 0 : i32
      %dma_wait3A_374 = tpu.memref_slice %arg3[%dma_wait3A_372, %dma_wait3A_373] : memref<1000000x32xf32, #tpu.memory_space<hbm>> -> memref<1000000x32xf32, #tpu.memory_space<hbm>>
      tpu.wait_indirect_dma semaphore(%arg13 : memref<!tpu.dma_semaphore, #tpu.memory_space<semaphore_mem>>) src(%dma_wait3A_374 : memref<1000000x32xf32, #tpu.memory_space<hbm>>) dst(%arg7 : memref<128x32xf32, #tpu.memory_space<vmem>>)
      %add3A_375 = arith.constant 2 : i32
      %add3A_376 = arith.addi %add3A_366, %add3A_375 : i32
      %le3A_377 = arith.constant 199 : i32
      %le3A_378 = arith.cmpi sle, %add3A_376, %le3A_377 : i32
      %convert_element_type3A_379 = arith.extui %le3A_378 : i1 to i32
      %cond3A_380 = arith.constant 0 : i32
      %cond3A_381 = arith.cmpi ne, %convert_element_type3A_379, %cond3A_380 : i32
      scf.if %cond3A_381 {
        %add3A_518 = arith.constant 2 : i32
        %add3A_519 = arith.addi %add3A_367, %add3A_518 : i32
        %jit3A_520 = arith.constant 128 : i32
        %div3A_521 = arith.divsi %add3A_519, %jit3A_520 : i32
        %sign3A_522 = arith.constant 0 : i32
        %sign3A_523 = arith.cmpi sgt, %add3A_519, %sign3A_522 : i32
        %sign3A_524 = arith.extui %sign3A_523 : i1 to i32
        %sign3A_525 = arith.constant 0 : i32
        %sign3A_526 = arith.cmpi slt, %add3A_519, %sign3A_525 : i32
        %sign3A_527 = arith.extui %sign3A_526 : i1 to i32
        %sign3A_528 = arith.subi %sign3A_524, %sign3A_527 : i32
        %sign3A_529 = arith.constant 0 : i32
        %sign3A_530 = arith.cmpi sgt, %jit3A_520, %sign3A_529 : i32
        %sign3A_531 = arith.extui %sign3A_530 : i1 to i32
        %sign3A_532 = arith.constant 0 : i32
        %sign3A_533 = arith.cmpi slt, %jit3A_520, %sign3A_532 : i32
        %sign3A_534 = arith.extui %sign3A_533 : i1 to i32
        %sign3A_535 = arith.subi %sign3A_531, %sign3A_534 : i32
        %ne3A_536 = arith.cmpi ne, %sign3A_528, %sign3A_535 : i32
        %rem3A_537 = arith.remsi %add3A_519, %jit3A_520 : i32
        %ne3A_538 = arith.constant 0 : i32
        %ne3A_539 = arith.cmpi ne, %rem3A_537, %ne3A_538 : i32
        %and3A_540 = arith.andi %ne3A_536, %ne3A_539 : i1
        %sub3A_541 = arith.constant 1 : i32
        %sub3A_542 = arith.subi %div3A_521, %sub3A_541 : i32
        %select_n3A_543 = arith.select %and3A_540, %sub3A_542, %div3A_521 : i32
        %jit3A_544 = arith.constant 128 : i32
        %eq3A_545 = arith.constant 0 : i32
        %eq3A_546 = arith.cmpi eq, %jit3A_544, %eq3A_545 : i32
        %jit3A_547 = arith.constant 1 : i32
        %select_n3A_548 = arith.select %eq3A_546, %jit3A_547, %jit3A_544 : i32
        %rem3A_549 = arith.remsi %add3A_519, %select_n3A_548 : i32
        %ne3A_550 = arith.constant 0 : i32
        %ne3A_551 = arith.cmpi ne, %rem3A_549, %ne3A_550 : i32
        %lt3A_552 = arith.constant 0 : i32
        %lt3A_553 = arith.cmpi slt, %rem3A_549, %lt3A_552 : i32
        %lt3A_554 = arith.constant 0 : i32
        %lt3A_555 = arith.cmpi slt, %select_n3A_548, %lt3A_554 : i32
        %ne3A_556 = arith.xori %lt3A_553, %lt3A_555 : i1
        %and3A_557 = arith.andi %ne3A_556, %ne3A_551 : i1
        %add3A_558 = arith.addi %rem3A_549, %select_n3A_548 : i32
        %select_n3A_559 = arith.select %and3A_557, %add3A_558, %rem3A_549 : i32
        %mul3A_560 = arith.constant 128 : i32
        %mul3A_561 = arith.muli %select_n3A_559, %mul3A_560 : i32
        %dma_start3A_562 = tpu.memref_slice %arg2[%select_n3A_543, %mul3A_561] : memref<50x16384xi32, #tpu.memory_space<hbm>> -> memref<1x128xi32, #tpu.memory_space<hbm>>
        %dma_start3A_563 = tpu.memref_squeeze %dma_start3A_562 : memref<1x128xi32, #tpu.memory_space<hbm>> -> memref<128xi32, #tpu.memory_space<hbm>>
        %dma_start3A_564 = tpu.memref_slice %arg2[%select_n3A_543, %mul3A_561] : memref<50x16384xi32, #tpu.memory_space<hbm>> -> memref<1x128xi32, #tpu.memory_space<hbm>>
        %dma_start3A_565 = tpu.memref_squeeze %dma_start3A_564 : memref<1x128xi32, #tpu.memory_space<hbm>> -> memref<128xi32, #tpu.memory_space<hbm>>
        tpu.enqueue_dma source(%dma_start3A_565 : memref<128xi32, #tpu.memory_space<hbm>>) target(%arg5 : memref<128xi32, #tpu.memory_space<vmem>>) target_semaphore(%arg11 : memref<!tpu.dma_semaphore, #tpu.memory_space<semaphore_mem>>)
      } else {
      }
      %ge3A = arith.constant 2 : i32
      %ge3A_382 = arith.cmpi sge, %add3A_366, %ge3A : i32
      %convert_element_type3A_383 = arith.extui %ge3A_382 : i1 to i32
      %cond3A_384 = arith.constant 0 : i32
      %cond3A_385 = arith.cmpi ne, %convert_element_type3A_383, %cond3A_384 : i32
      scf.if %cond3A_385 {
        %sub3A_518 = arith.constant 2 : i32
        %sub3A_519 = arith.subi %add3A_367, %sub3A_518 : i32
        %jit3A_520 = arith.constant 128 : i32
        %div3A_521 = arith.divsi %sub3A_519, %jit3A_520 : i32
        %sign3A_522 = arith.constant 0 : i32
        %sign3A_523 = arith.cmpi sgt, %sub3A_519, %sign3A_522 : i32
        %sign3A_524 = arith.extui %sign3A_523 : i1 to i32
        %sign3A_525 = arith.constant 0 : i32
        %sign3A_526 = arith.cmpi slt, %sub3A_519, %sign3A_525 : i32
        %sign3A_527 = arith.extui %sign3A_526 : i1 to i32
        %sign3A_528 = arith.subi %sign3A_524, %sign3A_527 : i32
        %sign3A_529 = arith.constant 0 : i32
        %sign3A_530 = arith.cmpi sgt, %jit3A_520, %sign3A_529 : i32
        %sign3A_531 = arith.extui %sign3A_530 : i1 to i32
        %sign3A_532 = arith.constant 0 : i32
        %sign3A_533 = arith.cmpi slt, %jit3A_520, %sign3A_532 : i32
        %sign3A_534 = arith.extui %sign3A_533 : i1 to i32
        %sign3A_535 = arith.subi %sign3A_531, %sign3A_534 : i32
        %ne3A_536 = arith.cmpi ne, %sign3A_528, %sign3A_535 : i32
        %rem3A_537 = arith.remsi %sub3A_519, %jit3A_520 : i32
        %ne3A_538 = arith.constant 0 : i32
        %ne3A_539 = arith.cmpi ne, %rem3A_537, %ne3A_538 : i32
        %and3A_540 = arith.andi %ne3A_536, %ne3A_539 : i1
        %sub3A_541 = arith.constant 1 : i32
        %sub3A_542 = arith.subi %div3A_521, %sub3A_541 : i32
        %select_n3A_543 = arith.select %and3A_540, %sub3A_542, %div3A_521 : i32
        %jit3A_544 = arith.constant 128 : i32
        %eq3A_545 = arith.constant 0 : i32
        %eq3A_546 = arith.cmpi eq, %jit3A_544, %eq3A_545 : i32
        %jit3A_547 = arith.constant 1 : i32
        %select_n3A_548 = arith.select %eq3A_546, %jit3A_547, %jit3A_544 : i32
        %rem3A_549 = arith.remsi %sub3A_519, %select_n3A_548 : i32
        %ne3A_550 = arith.constant 0 : i32
        %ne3A_551 = arith.cmpi ne, %rem3A_549, %ne3A_550 : i32
        %lt3A_552 = arith.constant 0 : i32
        %lt3A_553 = arith.cmpi slt, %rem3A_549, %lt3A_552 : i32
        %lt3A_554 = arith.constant 0 : i32
        %lt3A_555 = arith.cmpi slt, %select_n3A_548, %lt3A_554 : i32
        %ne3A_556 = arith.xori %lt3A_553, %lt3A_555 : i1
        %and3A_557 = arith.andi %ne3A_556, %ne3A_551 : i1
        %add3A_558 = arith.addi %rem3A_549, %select_n3A_548 : i32
        %select_n3A_559 = arith.select %and3A_557, %add3A_558, %rem3A_549 : i32
        %dma_wait3A_560 = arith.constant 0 : i32
        %dma_wait3A_561 = arith.constant 0 : i32
        %dma_wait3A_562 = arith.constant 0 : i32
        %dma_wait3A_563 = tpu.memref_slice %arg4[%select_n3A_543, %dma_wait3A_560, %select_n3A_559, %dma_wait3A_561, %dma_wait3A_562] : memref<50x4x128x8x128xf32, #tpu.memory_space<hbm>> -> memref<1x4x1x8x128xf32, #tpu.memory_space<hbm>>
        %dma_wait3A_564 = tpu.memref_squeeze %dma_wait3A_563 : memref<1x4x1x8x128xf32, #tpu.memory_space<hbm>> -> memref<4x1x8x128xf32, #tpu.memory_space<hbm>>
        %dma_wait3A_565 = arith.constant 0 : i32
        %dma_wait3A_566 = arith.constant 0 : i32
        %dma_wait3A_567 = arith.constant 0 : i32
        %dma_wait3A_568 = tpu.memref_slice %arg4[%select_n3A_543, %dma_wait3A_565, %select_n3A_559, %dma_wait3A_566, %dma_wait3A_567] : memref<50x4x128x8x128xf32, #tpu.memory_space<hbm>> -> memref<1x4x1x8x128xf32, #tpu.memory_space<hbm>>
        %dma_wait3A_569 = tpu.memref_squeeze %dma_wait3A_568 : memref<1x4x1x8x128xf32, #tpu.memory_space<hbm>> -> memref<4x1x8x128xf32, #tpu.memory_space<hbm>>
        tpu.wait_dma2 semaphore(%arg15 : memref<!tpu.dma_semaphore, #tpu.memory_space<semaphore_mem>>) src(%arg9 : memref<4x1x8x128xf32, #tpu.memory_space<vmem>>) dst(%dma_wait3A_569 : memref<4x1x8x128xf32, #tpu.memory_space<hbm>>)
      } else {
      }
      %parallel_loop3A = arith.constant 0 : i32
      %parallel_loop3A_386 = arith.constant 128 : i32
      %parallel_loop3A_387 = arith.constant 1 : i32
      scf.for %parallel_loop3A_518 = %parallel_loop3A to %parallel_loop3A_386 step %parallel_loop3A_387  : i32 {
        %parallel_loop3A_519 = vector.broadcast %parallel_loop3A_518 : i32 to vector<16xi32>
        %parallel_loop3A_520 = arith.index_cast %parallel_loop3A_518 : i32 to index
        %parallel_loop3A_521 = arith.constant 0 : index
        %parallel_loop3A_522 = tpu.vector_load %arg7[%parallel_loop3A_520, %parallel_loop3A_521] {strides = array<i32>} : memref<128x32xf32, #tpu.memory_space<vmem>>, vector<16xf32>,
        tpu.vector_store_idx %arg9[%select_n3A, %broadcast_in_dim3A_103, %select_n3A_80, %parallel_loop3A_519], %parallel_loop3A_522 : memref<4x1x8x128xf32, #tpu.memory_space<vmem>>[vector<16xi32>, vector<16xi32>, vector<16xi32>, vector<16xi32>], vector<16xf32>,
        %parallel_loop3A_523 = arith.index_cast %parallel_loop3A_518 : i32 to index
        %parallel_loop3A_524 = arith.constant 16 : index
        %parallel_loop3A_525 = tpu.vector_load %arg7[%parallel_loop3A_523, %parallel_loop3A_524] {strides = array<i32>} : memref<128x32xf32, #tpu.memory_space<vmem>>, vector<16xf32>,
        tpu.vector_store_idx %arg9[%select_n3A_60, %broadcast_in_dim3A_103, %select_n3A_102, %parallel_loop3A_519], %parallel_loop3A_525 : memref<4x1x8x128xf32, #tpu.memory_space<vmem>>[vector<16xi32>, vector<16xi32>, vector<16xi32>, vector<16xi32>], vector<16xf32>,
      } {sc.loop_unroll_factor = 16 : i64, sc.parallel_access}
      %jit3A_388 = arith.constant 128 : i32
      %div3A_389 = arith.divsi %add3A_367, %jit3A_388 : i32
      %sign3A_390 = arith.constant 0 : i32
      %sign3A_391 = arith.cmpi sgt, %add3A_367, %sign3A_390 : i32
      %sign3A_392 = arith.extui %sign3A_391 : i1 to i32
      %sign3A_393 = arith.constant 0 : i32
      %sign3A_394 = arith.cmpi slt, %add3A_367, %sign3A_393 : i32
      %sign3A_395 = arith.extui %sign3A_394 : i1 to i32
      %sign3A_396 = arith.subi %sign3A_392, %sign3A_395 : i32
      %sign3A_397 = arith.constant 0 : i32
      %sign3A_398 = arith.cmpi sgt, %jit3A_388, %sign3A_397 : i32
      %sign3A_399 = arith.extui %sign3A_398 : i1 to i32
      %sign3A_400 = arith.constant 0 : i32
      %sign3A_401 = arith.cmpi slt, %jit3A_388, %sign3A_400 : i32
      %sign3A_402 = arith.extui %sign3A_401 : i1 to i32
      %sign3A_403 = arith.subi %sign3A_399, %sign3A_402 : i32
      %ne3A_404 = arith.cmpi ne, %sign3A_396, %sign3A_403 : i32
      %rem3A_405 = arith.remsi %add3A_367, %jit3A_388 : i32
      %ne3A_406 = arith.constant 0 : i32
      %ne3A_407 = arith.cmpi ne, %rem3A_405, %ne3A_406 : i32
      %and3A_408 = arith.andi %ne3A_404, %ne3A_407 : i1
      %sub3A_409 = arith.constant 1 : i32
      %sub3A_410 = arith.subi %div3A_389, %sub3A_409 : i32
      %select_n3A_411 = arith.select %and3A_408, %sub3A_410, %div3A_389 : i32
      %jit3A_412 = arith.constant 128 : i32
      %eq3A_413 = arith.constant 0 : i32
      %eq3A_414 = arith.cmpi eq, %jit3A_412, %eq3A_413 : i32
      %jit3A_415 = arith.constant 1 : i32
      %select_n3A_416 = arith.select %eq3A_414, %jit3A_415, %jit3A_412 : i32
      %rem3A_417 = arith.remsi %add3A_367, %select_n3A_416 : i32
      %ne3A_418 = arith.constant 0 : i32
      %ne3A_419 = arith.cmpi ne, %rem3A_417, %ne3A_418 : i32
      %lt3A_420 = arith.constant 0 : i32
      %lt3A_421 = arith.cmpi slt, %rem3A_417, %lt3A_420 : i32
      %lt3A_422 = arith.constant 0 : i32
      %lt3A_423 = arith.cmpi slt, %select_n3A_416, %lt3A_422 : i32
      %ne3A_424 = arith.xori %lt3A_421, %lt3A_423 : i1
      %and3A_425 = arith.andi %ne3A_424, %ne3A_419 : i1
      %add3A_426 = arith.addi %rem3A_417, %select_n3A_416 : i32
      %select_n3A_427 = arith.select %and3A_425, %add3A_426, %rem3A_417 : i32
      %dma_start3A_428 = arith.constant 0 : i32
      %dma_start3A_429 = arith.constant 0 : i32
      %dma_start3A_430 = arith.constant 0 : i32
      %dma_start3A_431 = tpu.memref_slice %arg4[%select_n3A_411, %dma_start3A_428, %select_n3A_427, %dma_start3A_429, %dma_start3A_430] : memref<50x4x128x8x128xf32, #tpu.memory_space<hbm>> -> memref<1x4x1x8x128xf32, #tpu.memory_space<hbm>>
      %dma_start3A_432 = tpu.memref_squeeze %dma_start3A_431 : memref<1x4x1x8x128xf32, #tpu.memory_space<hbm>> -> memref<4x1x8x128xf32, #tpu.memory_space<hbm>>
      %dma_start3A_433 = arith.constant 0 : i32
      %dma_start3A_434 = arith.constant 0 : i32
      %dma_start3A_435 = arith.constant 0 : i32
      %dma_start3A_436 = tpu.memref_slice %arg4[%select_n3A_411, %dma_start3A_433, %select_n3A_427, %dma_start3A_434, %dma_start3A_435] : memref<50x4x128x8x128xf32, #tpu.memory_space<hbm>> -> memref<1x4x1x8x128xf32, #tpu.memory_space<hbm>>
      %dma_start3A_437 = tpu.memref_squeeze %dma_start3A_436 : memref<1x4x1x8x128xf32, #tpu.memory_space<hbm>> -> memref<4x1x8x128xf32, #tpu.memory_space<hbm>>
      tpu.enqueue_dma source(%arg9 : memref<4x1x8x128xf32, #tpu.memory_space<vmem>>) target(%dma_start3A_437 : memref<4x1x8x128xf32, #tpu.memory_space<hbm>>) target_semaphore(%arg15 : memref<!tpu.dma_semaphore, #tpu.memory_space<semaphore_mem>>)
      %mul3A_438 = arith.constant 2 : i32
      %mul3A_439 = arith.muli %mul3A_438, %scan3A_362 : i32
      %add3A_440 = arith.constant 1 : i32
      %add3A_441 = arith.addi %mul3A_439, %add3A_440 : i32
      %add3A_442 = arith.addi %mul3A_2, %add3A_441 : i32
      %add3A_443 = arith.constant 1 : i32
      %add3A_444 = arith.addi %add3A_441, %add3A_443 : i32
      %le3A_445 = arith.constant 199 : i32
      %le3A_446 = arith.cmpi sle, %add3A_444, %le3A_445 : i32
      %convert_element_type3A_447 = arith.extui %le3A_446 : i1 to i32
      %cond3A_448 = arith.constant 0 : i32
      %cond3A_449 = arith.cmpi ne, %convert_element_type3A_447, %cond3A_448 : i32
      scf.if %cond3A_449 {
        %add3A_518 = arith.constant 1 : i32
        %add3A_519 = arith.addi %add3A_442, %add3A_518 : i32
        %jit3A_520 = arith.constant 128 : i32
        %div3A_521 = arith.divsi %add3A_519, %jit3A_520 : i32
        %sign3A_522 = arith.constant 0 : i32
        %sign3A_523 = arith.cmpi sgt, %add3A_519, %sign3A_522 : i32
        %sign3A_524 = arith.extui %sign3A_523 : i1 to i32
        %sign3A_525 = arith.constant 0 : i32
        %sign3A_526 = arith.cmpi slt, %add3A_519, %sign3A_525 : i32
        %sign3A_527 = arith.extui %sign3A_526 : i1 to i32
        %sign3A_528 = arith.subi %sign3A_524, %sign3A_527 : i32
        %sign3A_529 = arith.constant 0 : i32
        %sign3A_530 = arith.cmpi sgt, %jit3A_520, %sign3A_529 : i32
        %sign3A_531 = arith.extui %sign3A_530 : i1 to i32
        %sign3A_532 = arith.constant 0 : i32
        %sign3A_533 = arith.cmpi slt, %jit3A_520, %sign3A_532 : i32
        %sign3A_534 = arith.extui %sign3A_533 : i1 to i32
        %sign3A_535 = arith.subi %sign3A_531, %sign3A_534 : i32
        %ne3A_536 = arith.cmpi ne, %sign3A_528, %sign3A_535 : i32
        %rem3A_537 = arith.remsi %add3A_519, %jit3A_520 : i32
        %ne3A_538 = arith.constant 0 : i32
        %ne3A_539 = arith.cmpi ne, %rem3A_537, %ne3A_538 : i32
        %and3A_540 = arith.andi %ne3A_536, %ne3A_539 : i1
        %sub3A_541 = arith.constant 1 : i32
        %sub3A_542 = arith.subi %div3A_521, %sub3A_541 : i32
        %select_n3A_543 = arith.select %and3A_540, %sub3A_542, %div3A_521 : i32
        %jit3A_544 = arith.constant 128 : i32
        %eq3A_545 = arith.constant 0 : i32
        %eq3A_546 = arith.cmpi eq, %jit3A_544, %eq3A_545 : i32
        %jit3A_547 = arith.constant 1 : i32
        %select_n3A_548 = arith.select %eq3A_546, %jit3A_547, %jit3A_544 : i32
        %rem3A_549 = arith.remsi %add3A_519, %select_n3A_548 : i32
        %ne3A_550 = arith.constant 0 : i32
        %ne3A_551 = arith.cmpi ne, %rem3A_549, %ne3A_550 : i32
        %lt3A_552 = arith.constant 0 : i32
        %lt3A_553 = arith.cmpi slt, %rem3A_549, %lt3A_552 : i32
        %lt3A_554 = arith.constant 0 : i32
        %lt3A_555 = arith.cmpi slt, %select_n3A_548, %lt3A_554 : i32
        %ne3A_556 = arith.xori %lt3A_553, %lt3A_555 : i1
        %and3A_557 = arith.andi %ne3A_556, %ne3A_551 : i1
        %add3A_558 = arith.addi %rem3A_549, %select_n3A_548 : i32
        %select_n3A_559 = arith.select %and3A_557, %add3A_558, %rem3A_549 : i32
        %mul3A_560 = arith.constant 128 : i32
        %mul3A_561 = arith.muli %select_n3A_559, %mul3A_560 : i32
        %dma_wait3A_562 = tpu.memref_slice %arg2[%select_n3A_543, %mul3A_561] : memref<50x16384xi32, #tpu.memory_space<hbm>> -> memref<1x128xi32, #tpu.memory_space<hbm>>
        %dma_wait3A_563 = tpu.memref_squeeze %dma_wait3A_562 : memref<1x128xi32, #tpu.memory_space<hbm>> -> memref<128xi32, #tpu.memory_space<hbm>>
        %dma_wait3A_564 = tpu.memref_slice %arg2[%select_n3A_543, %mul3A_561] : memref<50x16384xi32, #tpu.memory_space<hbm>> -> memref<1x128xi32, #tpu.memory_space<hbm>>
        %dma_wait3A_565 = tpu.memref_squeeze %dma_wait3A_564 : memref<1x128xi32, #tpu.memory_space<hbm>> -> memref<128xi32, #tpu.memory_space<hbm>>
        tpu.wait_dma2 semaphore(%arg11 : memref<!tpu.dma_semaphore, #tpu.memory_space<semaphore_mem>>) src(%dma_wait3A_565 : memref<128xi32, #tpu.memory_space<hbm>>) dst(%arg5 : memref<128xi32, #tpu.memory_space<vmem>>)
        %dma_start3A_566 = arith.constant 0 : i32
        %dma_start3A_567 = arith.constant 0 : i32
        %dma_start3A_568 = tpu.memref_slice %arg3[%dma_start3A_566, %dma_start3A_567] : memref<1000000x32xf32, #tpu.memory_space<hbm>> -> memref<1000000x32xf32, #tpu.memory_space<hbm>>
        tpu.enqueue_indirect_dma source(%dma_start3A_568 : memref<1000000x32xf32, #tpu.memory_space<hbm>>) target(%arg7 : memref<128x32xf32, #tpu.memory_space<vmem>>) offsets(%arg5 : memref<128xi32, #tpu.memory_space<vmem>>) semaphore(%arg13 : memref<!tpu.dma_semaphore, #tpu.memory_space<semaphore_mem>>)
      } else {
      }
      %dma_wait3A_450 = arith.constant 0 : i32
      %dma_wait3A_451 = arith.constant 0 : i32
      %dma_wait3A_452 = tpu.memref_slice %arg3[%dma_wait3A_450, %dma_wait3A_451] : memref<1000000x32xf32, #tpu.memory_space<hbm>> -> memref<1000000x32xf32, #tpu.memory_space<hbm>>
      tpu.wait_indirect_dma semaphore(%arg14 : memref<!tpu.dma_semaphore, #tpu.memory_space<semaphore_mem>>) src(%dma_wait3A_452 : memref<1000000x32xf32, #tpu.memory_space<hbm>>) dst(%arg8 : memref<128x32xf32, #tpu.memory_space<vmem>>)
      %add3A_453 = arith.constant 2 : i32
      %add3A_454 = arith.addi %add3A_441, %add3A_453 : i32
      %le3A_455 = arith.constant 199 : i32
      %le3A_456 = arith.cmpi sle, %add3A_454, %le3A_455 : i32
      %convert_element_type3A_457 = arith.extui %le3A_456 : i1 to i32
      %cond3A_458 = arith.constant 0 : i32
      %cond3A_459 = arith.cmpi ne, %convert_element_type3A_457, %cond3A_458 : i32
      scf.if %cond3A_459 {
        %add3A_518 = arith.constant 2 : i32
        %add3A_519 = arith.addi %add3A_442, %add3A_518 : i32
        %jit3A_520 = arith.constant 128 : i32
        %div3A_521 = arith.divsi %add3A_519, %jit3A_520 : i32
        %sign3A_522 = arith.constant 0 : i32
        %sign3A_523 = arith.cmpi sgt, %add3A_519, %sign3A_522 : i32
        %sign3A_524 = arith.extui %sign3A_523 : i1 to i32
        %sign3A_525 = arith.constant 0 : i32
        %sign3A_526 = arith.cmpi slt, %add3A_519, %sign3A_525 : i32
        %sign3A_527 = arith.extui %sign3A_526 : i1 to i32
        %sign3A_528 = arith.subi %sign3A_524, %sign3A_527 : i32
        %sign3A_529 = arith.constant 0 : i32
        %sign3A_530 = arith.cmpi sgt, %jit3A_520, %sign3A_529 : i32
        %sign3A_531 = arith.extui %sign3A_530 : i1 to i32
        %sign3A_532 = arith.constant 0 : i32
        %sign3A_533 = arith.cmpi slt, %jit3A_520, %sign3A_532 : i32
        %sign3A_534 = arith.extui %sign3A_533 : i1 to i32
        %sign3A_535 = arith.subi %sign3A_531, %sign3A_534 : i32
        %ne3A_536 = arith.cmpi ne, %sign3A_528, %sign3A_535 : i32
        %rem3A_537 = arith.remsi %add3A_519, %jit3A_520 : i32
        %ne3A_538 = arith.constant 0 : i32
        %ne3A_539 = arith.cmpi ne, %rem3A_537, %ne3A_538 : i32
        %and3A_540 = arith.andi %ne3A_536, %ne3A_539 : i1
        %sub3A_541 = arith.constant 1 : i32
        %sub3A_542 = arith.subi %div3A_521, %sub3A_541 : i32
        %select_n3A_543 = arith.select %and3A_540, %sub3A_542, %div3A_521 : i32
        %jit3A_544 = arith.constant 128 : i32
        %eq3A_545 = arith.constant 0 : i32
        %eq3A_546 = arith.cmpi eq, %jit3A_544, %eq3A_545 : i32
        %jit3A_547 = arith.constant 1 : i32
        %select_n3A_548 = arith.select %eq3A_546, %jit3A_547, %jit3A_544 : i32
        %rem3A_549 = arith.remsi %add3A_519, %select_n3A_548 : i32
        %ne3A_550 = arith.constant 0 : i32
        %ne3A_551 = arith.cmpi ne, %rem3A_549, %ne3A_550 : i32
        %lt3A_552 = arith.constant 0 : i32
        %lt3A_553 = arith.cmpi slt, %rem3A_549, %lt3A_552 : i32
        %lt3A_554 = arith.constant 0 : i32
        %lt3A_555 = arith.cmpi slt, %select_n3A_548, %lt3A_554 : i32
        %ne3A_556 = arith.xori %lt3A_553, %lt3A_555 : i1
        %and3A_557 = arith.andi %ne3A_556, %ne3A_551 : i1
        %add3A_558 = arith.addi %rem3A_549, %select_n3A_548 : i32
        %select_n3A_559 = arith.select %and3A_557, %add3A_558, %rem3A_549 : i32
        %mul3A_560 = arith.constant 128 : i32
        %mul3A_561 = arith.muli %select_n3A_559, %mul3A_560 : i32
        %dma_start3A_562 = tpu.memref_slice %arg2[%select_n3A_543, %mul3A_561] : memref<50x16384xi32, #tpu.memory_space<hbm>> -> memref<1x128xi32, #tpu.memory_space<hbm>>
        %dma_start3A_563 = tpu.memref_squeeze %dma_start3A_562 : memref<1x128xi32, #tpu.memory_space<hbm>> -> memref<128xi32, #tpu.memory_space<hbm>>
        %dma_start3A_564 = tpu.memref_slice %arg2[%select_n3A_543, %mul3A_561] : memref<50x16384xi32, #tpu.memory_space<hbm>> -> memref<1x128xi32, #tpu.memory_space<hbm>>
        %dma_start3A_565 = tpu.memref_squeeze %dma_start3A_564 : memref<1x128xi32, #tpu.memory_space<hbm>> -> memref<128xi32, #tpu.memory_space<hbm>>
        tpu.enqueue_dma source(%dma_start3A_565 : memref<128xi32, #tpu.memory_space<hbm>>) target(%arg6 : memref<128xi32, #tpu.memory_space<vmem>>) target_semaphore(%arg12 : memref<!tpu.dma_semaphore, #tpu.memory_space<semaphore_mem>>)
      } else {
      }
      %ge3A_460 = arith.constant 2 : i32
      %ge3A_461 = arith.cmpi sge, %add3A_441, %ge3A_460 : i32
      %convert_element_type3A_462 = arith.extui %ge3A_461 : i1 to i32
      %cond3A_463 = arith.constant 0 : i32
      %cond3A_464 = arith.cmpi ne, %convert_element_type3A_462, %cond3A_463 : i32
      scf.if %cond3A_464 {
        %sub3A_518 = arith.constant 2 : i32
        %sub3A_519 = arith.subi %add3A_442, %sub3A_518 : i32
        %jit3A_520 = arith.constant 128 : i32
        %div3A_521 = arith.divsi %sub3A_519, %jit3A_520 : i32
        %sign3A_522 = arith.constant 0 : i32
        %sign3A_523 = arith.cmpi sgt, %sub3A_519, %sign3A_522 : i32
        %sign3A_524 = arith.extui %sign3A_523 : i1 to i32
        %sign3A_525 = arith.constant 0 : i32
        %sign3A_526 = arith.cmpi slt, %sub3A_519, %sign3A_525 : i32
        %sign3A_527 = arith.extui %sign3A_526 : i1 to i32
        %sign3A_528 = arith.subi %sign3A_524, %sign3A_527 : i32
        %sign3A_529 = arith.constant 0 : i32
        %sign3A_530 = arith.cmpi sgt, %jit3A_520, %sign3A_529 : i32
        %sign3A_531 = arith.extui %sign3A_530 : i1 to i32
        %sign3A_532 = arith.constant 0 : i32
        %sign3A_533 = arith.cmpi slt, %jit3A_520, %sign3A_532 : i32
        %sign3A_534 = arith.extui %sign3A_533 : i1 to i32
        %sign3A_535 = arith.subi %sign3A_531, %sign3A_534 : i32
        %ne3A_536 = arith.cmpi ne, %sign3A_528, %sign3A_535 : i32
        %rem3A_537 = arith.remsi %sub3A_519, %jit3A_520 : i32
        %ne3A_538 = arith.constant 0 : i32
        %ne3A_539 = arith.cmpi ne, %rem3A_537, %ne3A_538 : i32
        %and3A_540 = arith.andi %ne3A_536, %ne3A_539 : i1
        %sub3A_541 = arith.constant 1 : i32
        %sub3A_542 = arith.subi %div3A_521, %sub3A_541 : i32
        %select_n3A_543 = arith.select %and3A_540, %sub3A_542, %div3A_521 : i32
        %jit3A_544 = arith.constant 128 : i32
        %eq3A_545 = arith.constant 0 : i32
        %eq3A_546 = arith.cmpi eq, %jit3A_544, %eq3A_545 : i32
        %jit3A_547 = arith.constant 1 : i32
        %select_n3A_548 = arith.select %eq3A_546, %jit3A_547, %jit3A_544 : i32
        %rem3A_549 = arith.remsi %sub3A_519, %select_n3A_548 : i32
        %ne3A_550 = arith.constant 0 : i32
        %ne3A_551 = arith.cmpi ne, %rem3A_549, %ne3A_550 : i32
        %lt3A_552 = arith.constant 0 : i32
        %lt3A_553 = arith.cmpi slt, %rem3A_549, %lt3A_552 : i32
        %lt3A_554 = arith.constant 0 : i32
        %lt3A_555 = arith.cmpi slt, %select_n3A_548, %lt3A_554 : i32
        %ne3A_556 = arith.xori %lt3A_553, %lt3A_555 : i1
        %and3A_557 = arith.andi %ne3A_556, %ne3A_551 : i1
        %add3A_558 = arith.addi %rem3A_549, %select_n3A_548 : i32
        %select_n3A_559 = arith.select %and3A_557, %add3A_558, %rem3A_549 : i32
        %dma_wait3A_560 = arith.constant 0 : i32
        %dma_wait3A_561 = arith.constant 0 : i32
        %dma_wait3A_562 = arith.constant 0 : i32
        %dma_wait3A_563 = tpu.memref_slice %arg4[%select_n3A_543, %dma_wait3A_560, %select_n3A_559, %dma_wait3A_561, %dma_wait3A_562] : memref<50x4x128x8x128xf32, #tpu.memory_space<hbm>> -> memref<1x4x1x8x128xf32, #tpu.memory_space<hbm>>
        %dma_wait3A_564 = tpu.memref_squeeze %dma_wait3A_563 : memref<1x4x1x8x128xf32, #tpu.memory_space<hbm>> -> memref<4x1x8x128xf32, #tpu.memory_space<hbm>>
        %dma_wait3A_565 = arith.constant 0 : i32
        %dma_wait3A_566 = arith.constant 0 : i32
        %dma_wait3A_567 = arith.constant 0 : i32
        %dma_wait3A_568 = tpu.memref_slice %arg4[%select_n3A_543, %dma_wait3A_565, %select_n3A_559, %dma_wait3A_566, %dma_wait3A_567] : memref<50x4x128x8x128xf32, #tpu.memory_space<hbm>> -> memref<1x4x1x8x128xf32, #tpu.memory_space<hbm>>
        %dma_wait3A_569 = tpu.memref_squeeze %dma_wait3A_568 : memref<1x4x1x8x128xf32, #tpu.memory_space<hbm>> -> memref<4x1x8x128xf32, #tpu.memory_space<hbm>>
        tpu.wait_dma2 semaphore(%arg16 : memref<!tpu.dma_semaphore, #tpu.memory_space<semaphore_mem>>) src(%arg10 : memref<4x1x8x128xf32, #tpu.memory_space<vmem>>) dst(%dma_wait3A_569 : memref<4x1x8x128xf32, #tpu.memory_space<hbm>>)
      } else {
      }
      %parallel_loop3A_465 = arith.constant 0 : i32
      %parallel_loop3A_466 = arith.constant 128 : i32
      %parallel_loop3A_467 = arith.constant 1 : i32
      scf.for %parallel_loop3A_518 = %parallel_loop3A_465 to %parallel_loop3A_466 step %parallel_loop3A_467  : i32 {
        %parallel_loop3A_519 = vector.broadcast %parallel_loop3A_518 : i32 to vector<16xi32>
        %parallel_loop3A_520 = arith.index_cast %parallel_loop3A_518 : i32 to index
        %parallel_loop3A_521 = arith.constant 0 : index
        %parallel_loop3A_522 = tpu.vector_load %arg8[%parallel_loop3A_520, %parallel_loop3A_521] {strides = array<i32>} : memref<128x32xf32, #tpu.memory_space<vmem>>, vector<16xf32>,
        tpu.vector_store_idx %arg10[%select_n3A, %broadcast_in_dim3A_103, %select_n3A_80, %parallel_loop3A_519], %parallel_loop3A_522 : memref<4x1x8x128xf32, #tpu.memory_space<vmem>>[vector<16xi32>, vector<16xi32>, vector<16xi32>, vector<16xi32>], vector<16xf32>,
        %parallel_loop3A_523 = arith.index_cast %parallel_loop3A_518 : i32 to index
        %parallel_loop3A_524 = arith.constant 16 : index
        %parallel_loop3A_525 = tpu.vector_load %arg8[%parallel_loop3A_523, %parallel_loop3A_524] {strides = array<i32>} : memref<128x32xf32, #tpu.memory_space<vmem>>, vector<16xf32>,
        tpu.vector_store_idx %arg10[%select_n3A_60, %broadcast_in_dim3A_103, %select_n3A_102, %parallel_loop3A_519], %parallel_loop3A_525 : memref<4x1x8x128xf32, #tpu.memory_space<vmem>>[vector<16xi32>, vector<16xi32>, vector<16xi32>, vector<16xi32>], vector<16xf32>,
      } {sc.loop_unroll_factor = 16 : i64, sc.parallel_access}
      %jit3A_468 = arith.constant 128 : i32
      %div3A_469 = arith.divsi %add3A_442, %jit3A_468 : i32
      %sign3A_470 = arith.constant 0 : i32
      %sign3A_471 = arith.cmpi sgt, %add3A_442, %sign3A_470 : i32
      %sign3A_472 = arith.extui %sign3A_471 : i1 to i32
      %sign3A_473 = arith.constant 0 : i32
      %sign3A_474 = arith.cmpi slt, %add3A_442, %sign3A_473 : i32
      %sign3A_475 = arith.extui %sign3A_474 : i1 to i32
      %sign3A_476 = arith.subi %sign3A_472, %sign3A_475 : i32
      %sign3A_477 = arith.constant 0 : i32
      %sign3A_478 = arith.cmpi sgt, %jit3A_468, %sign3A_477 : i32
      %sign3A_479 = arith.extui %sign3A_478 : i1 to i32
      %sign3A_480 = arith.constant 0 : i32
      %sign3A_481 = arith.cmpi slt, %jit3A_468, %sign3A_480 : i32
      %sign3A_482 = arith.extui %sign3A_481 : i1 to i32
      %sign3A_483 = arith.subi %sign3A_479, %sign3A_482 : i32
      %ne3A_484 = arith.cmpi ne, %sign3A_476, %sign3A_483 : i32
      %rem3A_485 = arith.remsi %add3A_442, %jit3A_468 : i32
      %ne3A_486 = arith.constant 0 : i32
      %ne3A_487 = arith.cmpi ne, %rem3A_485, %ne3A_486 : i32
      %and3A_488 = arith.andi %ne3A_484, %ne3A_487 : i1
      %sub3A_489 = arith.constant 1 : i32
      %sub3A_490 = arith.subi %div3A_469, %sub3A_489 : i32
      %select_n3A_491 = arith.select %and3A_488, %sub3A_490, %div3A_469 : i32
      %jit3A_492 = arith.constant 128 : i32
      %eq3A_493 = arith.constant 0 : i32
      %eq3A_494 = arith.cmpi eq, %jit3A_492, %eq3A_493 : i32
      %jit3A_495 = arith.constant 1 : i32
      %select_n3A_496 = arith.select %eq3A_494, %jit3A_495, %jit3A_492 : i32
      %rem3A_497 = arith.remsi %add3A_442, %select_n3A_496 : i32
      %ne3A_498 = arith.constant 0 : i32
      %ne3A_499 = arith.cmpi ne, %rem3A_497, %ne3A_498 : i32
      %lt3A_500 = arith.constant 0 : i32
      %lt3A_501 = arith.cmpi slt, %rem3A_497, %lt3A_500 : i32
      %lt3A_502 = arith.constant 0 : i32
      %lt3A_503 = arith.cmpi slt, %select_n3A_496, %lt3A_502 : i32
      %ne3A_504 = arith.xori %lt3A_501, %lt3A_503 : i1
      %and3A_505 = arith.andi %ne3A_504, %ne3A_499 : i1
      %add3A_506 = arith.addi %rem3A_497, %select_n3A_496 : i32
      %select_n3A_507 = arith.select %and3A_505, %add3A_506, %rem3A_497 : i32
      %dma_start3A_508 = arith.constant 0 : i32
      %dma_start3A_509 = arith.constant 0 : i32
      %dma_start3A_510 = arith.constant 0 : i32
      %dma_start3A_511 = tpu.memref_slice %arg4[%select_n3A_491, %dma_start3A_508, %select_n3A_507, %dma_start3A_509, %dma_start3A_510] : memref<50x4x128x8x128xf32, #tpu.memory_space<hbm>> -> memref<1x4x1x8x128xf32, #tpu.memory_space<hbm>>
      %dma_start3A_512 = tpu.memref_squeeze %dma_start3A_511 : memref<1x4x1x8x128xf32, #tpu.memory_space<hbm>> -> memref<4x1x8x128xf32, #tpu.memory_space<hbm>>
      %dma_start3A_513 = arith.constant 0 : i32
      %dma_start3A_514 = arith.constant 0 : i32
      %dma_start3A_515 = arith.constant 0 : i32
      %dma_start3A_516 = tpu.memref_slice %arg4[%select_n3A_491, %dma_start3A_513, %select_n3A_507, %dma_start3A_514, %dma_start3A_515] : memref<50x4x128x8x128xf32, #tpu.memory_space<hbm>> -> memref<1x4x1x8x128xf32, #tpu.memory_space<hbm>>
      %dma_start3A_517 = tpu.memref_squeeze %dma_start3A_516 : memref<1x4x1x8x128xf32, #tpu.memory_space<hbm>> -> memref<4x1x8x128xf32, #tpu.memory_space<hbm>>
      tpu.enqueue_dma source(%arg10 : memref<4x1x8x128xf32, #tpu.memory_space<vmem>>) target(%dma_start3A_517 : memref<4x1x8x128xf32, #tpu.memory_space<hbm>>) target_semaphore(%arg16 : memref<!tpu.dma_semaphore, #tpu.memory_space<semaphore_mem>>)
    }
    %scan3A_253 = arith.constant 100 : i32
    %add3A_254 = arith.constant 200 : i32
    %add3A_255 = arith.addi %mul3A_2, %add3A_254 : i32
    %sub3A_256 = arith.constant 2 : i32
    %sub3A_257 = arith.subi %add3A_255, %sub3A_256 : i32
    %jit3A_258 = arith.constant 128 : i32
    %div3A_259 = arith.divsi %sub3A_257, %jit3A_258 : i32
    %sign3A_260 = arith.constant 0 : i32
    %sign3A_261 = arith.cmpi sgt, %sub3A_257, %sign3A_260 : i32
    %sign3A_262 = arith.extui %sign3A_261 : i1 to i32
    %sign3A_263 = arith.constant 0 : i32
    %sign3A_264 = arith.cmpi slt, %sub3A_257, %sign3A_263 : i32
    %sign3A_265 = arith.extui %sign3A_264 : i1 to i32
    %sign3A_266 = arith.subi %sign3A_262, %sign3A_265 : i32
    %sign3A_267 = arith.constant 0 : i32
    %sign3A_268 = arith.cmpi sgt, %jit3A_258, %sign3A_267 : i32
    %sign3A_269 = arith.extui %sign3A_268 : i1 to i32
    %sign3A_270 = arith.constant 0 : i32
    %sign3A_271 = arith.cmpi slt, %jit3A_258, %sign3A_270 : i32
    %sign3A_272 = arith.extui %sign3A_271 : i1 to i32
    %sign3A_273 = arith.subi %sign3A_269, %sign3A_272 : i32
    %ne3A_274 = arith.cmpi ne, %sign3A_266, %sign3A_273 : i32
    %rem3A_275 = arith.remsi %sub3A_257, %jit3A_258 : i32
    %ne3A_276 = arith.constant 0 : i32
    %ne3A_277 = arith.cmpi ne, %rem3A_275, %ne3A_276 : i32
    %and3A_278 = arith.andi %ne3A_274, %ne3A_277 : i1
    %sub3A_279 = arith.constant 1 : i32
    %sub3A_280 = arith.subi %div3A_259, %sub3A_279 : i32
    %select_n3A_281 = arith.select %and3A_278, %sub3A_280, %div3A_259 : i32
    %jit3A_282 = arith.constant 128 : i32
    %eq3A_283 = arith.constant 0 : i32
    %eq3A_284 = arith.cmpi eq, %jit3A_282, %eq3A_283 : i32
    %jit3A_285 = arith.constant 1 : i32
    %select_n3A_286 = arith.select %eq3A_284, %jit3A_285, %jit3A_282 : i32
    %rem3A_287 = arith.remsi %sub3A_257, %select_n3A_286 : i32
    %ne3A_288 = arith.constant 0 : i32
    %ne3A_289 = arith.cmpi ne, %rem3A_287, %ne3A_288 : i32
    %lt3A_290 = arith.constant 0 : i32
    %lt3A_291 = arith.cmpi slt, %rem3A_287, %lt3A_290 : i32
    %lt3A_292 = arith.constant 0 : i32
    %lt3A_293 = arith.cmpi slt, %select_n3A_286, %lt3A_292 : i32
    %ne3A_294 = arith.xori %lt3A_291, %lt3A_293 : i1
    %and3A_295 = arith.andi %ne3A_294, %ne3A_289 : i1
    %add3A_296 = arith.addi %rem3A_287, %select_n3A_286 : i32
    %select_n3A_297 = arith.select %and3A_295, %add3A_296, %rem3A_287 : i32
    %dma_wait3A_298 = arith.constant 0 : i32
    %dma_wait3A_299 = arith.constant 0 : i32
    %dma_wait3A_300 = arith.constant 0 : i32
    %dma_wait3A_301 = tpu.memref_slice %arg4[%select_n3A_281, %dma_wait3A_298, %select_n3A_297, %dma_wait3A_299, %dma_wait3A_300] : memref<50x4x128x8x128xf32, #tpu.memory_space<hbm>> -> memref<1x4x1x8x128xf32, #tpu.memory_space<hbm>>
    %dma_wait3A_302 = tpu.memref_squeeze %dma_wait3A_301 : memref<1x4x1x8x128xf32, #tpu.memory_space<hbm>> -> memref<4x1x8x128xf32, #tpu.memory_space<hbm>>
    %dma_wait3A_303 = arith.constant 0 : i32
    %dma_wait3A_304 = arith.constant 0 : i32
    %dma_wait3A_305 = arith.constant 0 : i32
    %dma_wait3A_306 = tpu.memref_slice %arg4[%select_n3A_281, %dma_wait3A_303, %select_n3A_297, %dma_wait3A_304, %dma_wait3A_305] : memref<50x4x128x8x128xf32, #tpu.memory_space<hbm>> -> memref<1x4x1x8x128xf32, #tpu.memory_space<hbm>>
    %dma_wait3A_307 = tpu.memref_squeeze %dma_wait3A_306 : memref<1x4x1x8x128xf32, #tpu.memory_space<hbm>> -> memref<4x1x8x128xf32, #tpu.memory_space<hbm>>
    tpu.wait_dma2 semaphore(%arg15 : memref<!tpu.dma_semaphore, #tpu.memory_space<semaphore_mem>>) src(%arg9 : memref<4x1x8x128xf32, #tpu.memory_space<vmem>>) dst(%dma_wait3A_307 : memref<4x1x8x128xf32, #tpu.memory_space<hbm>>)
    %add3A_308 = arith.constant 200 : i32
    %add3A_309 = arith.addi %mul3A_2, %add3A_308 : i32
    %sub3A_310 = arith.constant 1 : i32
    %sub3A_311 = arith.subi %add3A_309, %sub3A_310 : i32
    %jit3A_312 = arith.constant 128 : i32
    %div3A_313 = arith.divsi %sub3A_311, %jit3A_312 : i32
    %sign3A_314 = arith.constant 0 : i32
    %sign3A_315 = arith.cmpi sgt, %sub3A_311, %sign3A_314 : i32
    %sign3A_316 = arith.extui %sign3A_315 : i1 to i32
    %sign3A_317 = arith.constant 0 : i32
    %sign3A_318 = arith.cmpi slt, %sub3A_311, %sign3A_317 : i32
    %sign3A_319 = arith.extui %sign3A_318 : i1 to i32
    %sign3A_320 = arith.subi %sign3A_316, %sign3A_319 : i32
    %sign3A_321 = arith.constant 0 : i32
    %sign3A_322 = arith.cmpi sgt, %jit3A_312, %sign3A_321 : i32
    %sign3A_323 = arith.extui %sign3A_322 : i1 to i32
    %sign3A_324 = arith.constant 0 : i32
    %sign3A_325 = arith.cmpi slt, %jit3A_312, %sign3A_324 : i32
    %sign3A_326 = arith.extui %sign3A_325 : i1 to i32
    %sign3A_327 = arith.subi %sign3A_323, %sign3A_326 : i32
    %ne3A_328 = arith.cmpi ne, %sign3A_320, %sign3A_327 : i32
    %rem3A_329 = arith.remsi %sub3A_311, %jit3A_312 : i32
    %ne3A_330 = arith.constant 0 : i32
    %ne3A_331 = arith.cmpi ne, %rem3A_329, %ne3A_330 : i32
    %and3A_332 = arith.andi %ne3A_328, %ne3A_331 : i1
    %sub3A_333 = arith.constant 1 : i32
    %sub3A_334 = arith.subi %div3A_313, %sub3A_333 : i32
    %select_n3A_335 = arith.select %and3A_332, %sub3A_334, %div3A_313 : i32
    %jit3A_336 = arith.constant 128 : i32
    %eq3A_337 = arith.constant 0 : i32
    %eq3A_338 = arith.cmpi eq, %jit3A_336, %eq3A_337 : i32
    %jit3A_339 = arith.constant 1 : i32
    %select_n3A_340 = arith.select %eq3A_338, %jit3A_339, %jit3A_336 : i32
    %rem3A_341 = arith.remsi %sub3A_311, %select_n3A_340 : i32
    %ne3A_342 = arith.constant 0 : i32
    %ne3A_343 = arith.cmpi ne, %rem3A_341, %ne3A_342 : i32
    %lt3A_344 = arith.constant 0 : i32
    %lt3A_345 = arith.cmpi slt, %rem3A_341, %lt3A_344 : i32
    %lt3A_346 = arith.constant 0 : i32
    %lt3A_347 = arith.cmpi slt, %select_n3A_340, %lt3A_346 : i32
    %ne3A_348 = arith.xori %lt3A_345, %lt3A_347 : i1
    %and3A_349 = arith.andi %ne3A_348, %ne3A_343 : i1
    %add3A_350 = arith.addi %rem3A_341, %select_n3A_340 : i32
    %select_n3A_351 = arith.select %and3A_349, %add3A_350, %rem3A_341 : i32
    %dma_wait3A_352 = arith.constant 0 : i32
    %dma_wait3A_353 = arith.constant 0 : i32
    %dma_wait3A_354 = arith.constant 0 : i32
    %dma_wait3A_355 = tpu.memref_slice %arg4[%select_n3A_335, %dma_wait3A_352, %select_n3A_351, %dma_wait3A_353, %dma_wait3A_354] : memref<50x4x128x8x128xf32, #tpu.memory_space<hbm>> -> memref<1x4x1x8x128xf32, #tpu.memory_space<hbm>>
    %dma_wait3A_356 = tpu.memref_squeeze %dma_wait3A_355 : memref<1x4x1x8x128xf32, #tpu.memory_space<hbm>> -> memref<4x1x8x128xf32, #tpu.memory_space<hbm>>
    %dma_wait3A_357 = arith.constant 0 : i32
    %dma_wait3A_358 = arith.constant 0 : i32
    %dma_wait3A_359 = arith.constant 0 : i32
    %dma_wait3A_360 = tpu.memref_slice %arg4[%select_n3A_335, %dma_wait3A_357, %select_n3A_351, %dma_wait3A_358, %dma_wait3A_359] : memref<50x4x128x8x128xf32, #tpu.memory_space<hbm>> -> memref<1x4x1x8x128xf32, #tpu.memory_space<hbm>>
    %dma_wait3A_361 = tpu.memref_squeeze %dma_wait3A_360 : memref<1x4x1x8x128xf32, #tpu.memory_space<hbm>> -> memref<4x1x8x128xf32, #tpu.memory_space<hbm>>
    tpu.wait_dma2 semaphore(%arg16 : memref<!tpu.dma_semaphore, #tpu.memory_space<semaphore_mem>>) src(%arg10 : memref<4x1x8x128xf32, #tpu.memory_space<vmem>>) dst(%dma_wait3A_361 : memref<4x1x8x128xf32, #tpu.memory_space<hbm>>)
    return
  }
}

</mosaic_0001>

<sc_bundles>
// kernel: kernel.3.cloned.1.call-start
scs
__scs_entry_jumppad:
0x0: {  	(pc) =	sbr.rel $0x88, $3  }
0x1: {  	(tag) =	ssettag $0x0;
	lr =	simm.s32 $0x1  }
0x2: {  	[smem:$0x3F9F] =	sst lr;
	_ =	strace $0xD0000000  }
0x3: {  	_ = 	snop  }
0x4: {  	_ = 	snop  }
0x5: {  	_ = 	snop  }
0x6: {  	_ = 	snop  }
0x7: {  	_ = 	snop  }
__scs_overlays_trampoline_lowered:
0x8: {  	[smem:$0x3FAE] =	sst s0  }
0x9: {  	[smem:$0x3FAF] =	sst s1  }
0xa: {  	[smem:$0x3FB0] =	sst s2  }
0xb: {  	[smem:$0x3FB1] =	sst s3  }
0xc: {  	[smem:$0x3FB2] =	sst s4  }
0xd: {  	[smem:$0x3FB3] =	sst s5  }
0xe: {  	[smem:$0x3FB4] =	sst s6  }
0xf: {  	[smem:$0x3FB5] =	sst s7  }
0x10: {  	[smem:$0x3FB6] =	sst s8  }
0x11: {  	[smem:$0x3FB7] =	sst s9;
	s0 =	simm.s32 @!p0 $0x0  }
0x12: {  	s1 =	sld [smem:$0x3F9D];
	s0 =	simm.s32 @p0 $0x1  }
0x13: {  	[smem:$0x3FB8] =	sst s0;
	s0 =	simm.s32 @!p1 $0x0  }
0x14: {  	s2 =	sld [smem:$0x3F9C];
	s0 =	simm.s32 @p1 $0x1  }
0x15: {  	[smem:$0x3FB9] =	sst s0;
	s0 =	simm.s32 @!p2 $0x0  }
0x16: {  	s3 =	sld [smem:$0x3FDB];
	s0 =	simm.s32 @p2 $0x1  }
0x17: {  	s4 =	simm.s32 $0x1BF5;
	[smem:$0x3FBB] =	sst s0  }
0x18: {  	s0 =	sld [smem:$0x3F9E];
	_ =	swait.ge [sflag:s4], $0x0  }
0x19: {  	s7 =	sld [smem:$0x3F9F]  }
0x1a: {  	s8 =	sadd.s32 $0xFFFFE003, lr  }
0x1b: {  	s9 =	sadd.s32 $0xFFFFFEF7, lr;
	s5 =	simm.s32 $0xFFFFFFFF;
	p2 =	slt.u32 s8, $0xFFFFF086  }
0x1c: {  	p1 =	slt.u32 s9, $0xF7A;
	s5 =	simm.s32 @!p2 $0x0  }
0x1d: {  	s5 =	simm.s32 @p1 $0x1;
	p0 =	seq.s32 s7, s2  }
0x1e: {  	s7 =	smul.u32 @!p0 $0xF7A, s2;
	p2 =	seq.s32 @!p0 s5, $0x0  }
0x1f: {  	s9 =	smul.u32 $0xF7A, s1;
	s8 =	simm.s32 @!p0 $0x1BF5;
	p2 =	por !p2, p0  }
0x20: {  	[sflag:s8] =	ssyncset.s32 @!p0 $0xFFFFF086;
	s6 =	sadd.s32 @!p0 s3, s7;
	s7 =	simm.s32 @!p0 $0x108  }
0x21: {  	s3 =	sadd.s32 s3, s9;
	s6 =	sadd.s32 @!p0 $0x88, s6;
	s7 =	simm.s32 @p2 $0x1082  }
0x22: {  	[simem:s7], [sflag:s8] =	dma.local @!p0 [hbm:s6], $0xF7A  }
0x23: {  	s9 =	sor.u32 $0xD0000000, s2;
	s6 =	simm.s32 $0x108;
	_ =	swait.ge @!p0 [sflag:s8], $0x0  }
0x24: {  	s3 =	sadd.s32 $0x88, s3;
	s6 =	simm.s32 @!p1 $0x1082;
	[sflag:s4] =	ssyncset.s32 $0xFFFFF086  }
0x25: {  	[simem:s6], [sflag:s4] =	dma.local [hbm:s3], $0xF7A  }
0x26: {  	[smem:$0x3F9F] =	sst s1;
	(tag) =	ssettag s2;
	_ =	strace s9  }
0x27: {  	s1 =	sld [smem:$0x3FAF]  }
0x28: {  	s2 =	sld [smem:$0x3FB0]  }
0x29: {  	s4 =	sld [smem:$0x3FB2]  }
0x2a: {  	p0 =	seq.s32 s5, $0x0;
	s5 =	sld [smem:$0x3FB3]  }
0x2b: {  	s6 =	sld [smem:$0x3FB4]  }
0x2c: {  	s7 =	sld [smem:$0x3FB5]  }
0x2d: {  	s3 =	simm.s32 $0x108;
	s8 =	sld [smem:$0x3FB6]  }
0x2e: {  	s3 =	simm.s32 @!p0 $0x1082;
	s9 =	sld [smem:$0x3FB7]  }
0x2f: {  	lr =	sadd.s32 s0, s3;
	s0 =	sld [smem:$0x3FAE]  }
0x30: {  	s3 =	sld [smem:$0x3FB1]  }
0x31: {  	[smem:$0x3FBA] =	sst s10  }
0x32: {  	s10 =	sld [smem:$0x3FB8];
	_ =	sdelay $0x3  }
0x33: {  	p0 =	seq.s32 s10, $0x1;
	s10 =	sld [smem:$0x3FBA];
	_ =	sdelay $0x3  }
0x34: {  	[smem:$0x3FBA] =	sst s10  }
0x35: {  	s10 =	sld [smem:$0x3FB9];
	_ =	sdelay $0x3  }
0x36: {  	p1 =	seq.s32 s10, $0x1;
	s10 =	sld [smem:$0x3FBA];
	_ =	sdelay $0x3  }
0x37: {  	[smem:$0x3FBA] =	sst s10  }
0x38: {  	s10 =	sld [smem:$0x3FBB]  }
0x39: {  	_ = 	snop;
	(pc) =	sbr.ind lr, $3  }
0x3a: {  	_ = 	snop  }
0x3b: {  	_ = 	snop  }
0x3c: {  	p2 =	seq.s32 s10, $0x1;
	s10 =	sld [smem:$0x3FBA]  }
0x3d: {  	_ =	shalt  }
0x3e: {  	_ =	shalt  }
0x3f: {  	_ =	shalt  }
0x40: {  	_ =	shalt  }
0x41: {  	_ =	shalt  }
0x42: {  	_ =	shalt  }
0x43: {  	_ =	shalt  }
0x44: {  	_ =	shalt  }
0x45: {  	_ =	shalt  }
0x46: {  	_ =	shalt  }
0x47: {  	_ =	shalt  }
0x48: {  	_ =	shalt  }
0x49: {  	_ =	shalt  }
0x4a: {  	_ =	shalt  }
0x4b: {  	_ =	shalt  }
0x4c: {  	_ =	shalt  }
0x4d: {  	_ =	shalt  }
0x4e: {  	_ =	shalt  }
0x4f: {  	_ =	shalt  }
0x50: {  	_ =	shalt  }
0x51: {  	_ =	shalt  }
0x52: {  	_ =	shalt  }
0x53: {  	_ =	shalt  }
0x54: {  	_ =	shalt  }
0x55: {  	_ =	shalt  }
0x56: {  	_ =	shalt  }
0x57: {  	_ =	shalt  }
0x58: {  	_ =	shalt  }
0x59: {  	_ =	shalt  }
0x5a: {  	_ =	shalt  }
0x5b: {  	_ =	shalt  }
0x5c: {  	_ =	shalt  }
0x5d: {  	_ =	shalt  }
0x5e: {  	_ =	shalt  }
0x5f: {  	_ =	shalt  }
0x60: {  	_ =	shalt  }
0x61: {  	_ =	shalt  }
0x62: {  	_ =	shalt  }
0x63: {  	_ =	shalt  }
0x64: {  	_ =	shalt  }
0x65: {  	_ =	shalt  }
0x66: {  	_ =	shalt  }
0x67: {  	_ =	shalt  }
0x68: {  	_ =	shalt  }
0x69: {  	_ =	shalt  }
0x6a: {  	_ =	shalt  }
0x6b: {  	_ =	shalt  }
0x6c: {  	_ =	shalt  }
0x6d: {  	_ =	shalt  }
0x6e: {  	_ =	shalt  }
0x6f: {  	_ =	shalt  }
0x70: {  	_ =	shalt  }
0x71: {  	_ =	shalt  }
0x72: {  	_ =	shalt  }
0x73: {  	_ =	shalt  }
0x74: {  	_ =	shalt  }
0x75: {  	_ =	shalt  }
0x76: {  	_ =	shalt  }
0x77: {  	_ =	shalt  }
0x78: {  	_ =	shalt  }
0x79: {  	_ =	shalt  }
0x7a: {  	_ =	shalt  }
0x7b: {  	_ =	shalt  }
0x7c: {  	_ =	shalt  }
0x7d: {  	_ =	shalt  }
0x7e: {  	_ =	shalt  }
0x7f: {  	_ =	shalt  }
0x80: {  	_ =	shalt  }
0x81: {  	_ =	shalt  }
0x82: {  	_ =	shalt  }
0x83: {  	_ =	shalt  }
0x84: {  	_ =	shalt  }
0x85: {  	_ =	shalt  }
0x86: {  	_ =	shalt  }
0x87: {  	_ =	shalt  }
.Lfunc_end0:
.L_simem_size_0:
called_computation_lowered:
.L_overlay_start_0:
0x88: {  	s2 =	sld [smem:$0x3FD9]  }
0x89: {  	s3 =	sld [smem:$0x3FFE];
	_ =	sdelay $0x1  }
0x8a: {  	s1 =	srdreg.scid  }
0x8b: {  	s0 =	sand.u32 $0x1, s1  }
0x8c: {  	s17 =	sshll.u32 s0, $0xA;
	s2 =	sadd.s32 s3, s2  }
0x8d: {  	s2 =	sadd.s32 s2, s17  }
0x8e: {  	[smem:$0x3FC6] =	sst s2  }
0x8f: {  	_ = 	snop  }
0x90: {  	s2 =	sld [smem:$0x3FD0];
	(tm) =	ssettm $0x1  }
0x91: {  	s18 =	sld [smem:$0x3FFB];
	_ =	sdelay $0x3  }
0x92: {  	_ =	strace s18  }
0x93: {  	s3 =	sld [smem:$0x3FFC];
	_ =	sdelay $0x3  }
0x94: {  	_ =	strace s3  }
0x95: {  	s3 =	sld [smem:$0x3FFD];
	_ =	sdelay $0x3  }
0x96: {  	_ =	strace s3  }
0x97: {  	_ =	strace $0x8FFFFFFF  }
0x98: {  	s19 =	sld [smem:$0x3FDB];
	_ =	sdelay $0x1  }
0x99: {  	s4 =	simm.s32 $_scs_section_size  }
0x9a: {  	s5 =	simm.s32 $_size__tile_overlayer_lowered;
	s6 =	simm.s32 $_tile_overlayer_lowered  }
0x9b: {  	s22 =	simm.s32 $0x1BFF;
	s21 =	sshll.u32 s6, $0x1;
	s3 =	sadd.s32 s4, s19  }
0x9c: {  	s7 =	simm.s32 $0x0;
	s20 =	sshll.u32 s5, $0x1;
	s5 =	sadd.s32 s21, s3  }
0x9d: {  	[timem:s7], [sflag:s22] =	dma.local [hbm:s5], s20  }
0x9e: {  	_ =	swait.ge [sflag:s22], s20  }
0x9f: {  	s4 =	ssub.s32 $0x0, s20;
	[sflag:s22] =	ssyncset.done $0x0  }
0xa0: {  	[sflag:s22] =	ssyncadd.s32 s4;
	_ =	sdelay $0x1  }
0xa1: {  	s23 =	simm.s32 $0x1B8B  }
0xa2: {  	_ =	swait.ge [sflag:s23], $0x1  }
0xa3: {  	[sflag:s23] =	ssyncset.done $0x0  }
0xa4: {  	s25 =	simm.s32 $0x1B8E;
	s24 =	sld [smem:$0x3FFE];
	[sflag:s23] =	ssyncadd.s32 $0xFFFFFFFF  }
0xa5: {  	s26 =	simm.s32 $execute0_lowered;
	[smem:$0x3FD2] =	sst s25  }
0xa6: {  	s5 =	sshll.u32 s26, $0x1;
	_ =	strace $0x80000046;
	[dreg:$0x1] =	wrdreg $0xFFFFFFFF  }
0xa7: {  	s28 =	simm.s32 $_size_execute0_lowered;
	s3 =	sadd.s32 s3, s5;
	[dreg:$0x0] =	wrdreg $0x0  }
0xa8: {  	s5 =	sshll.u32 s28, $0x1;
	[dreg:$0x2] =	wrdreg s3  }
0xa9: {  	[dreg:$0x3] =	wrdreg s5  }
0xaa: {  	[dreg:$0x4] =	wrdreg $0xC0  }
0xab: {  	_ =	task [dreg:s7], $0x5FFFF  }
0xac: {  	[dreg:$0x1] =	wrdreg $0xFFFFFFFF  }
0xad: {  	[dreg:$0x0] =	wrdreg $0x60  }
0xae: {  	[dreg:$0x2] =	wrdreg s24  }
0xaf: {  	[dreg:$0x3] =	wrdreg s2  }
0xb0: {  	[dreg:$0x4] =	wrdreg $0x9  }
0xb1: {  	_ =	task.clear_ibuf [dreg:s7], $0x5FFFF;
	_ =	strace $0x90000046  }
0xb2: {  	s29 =	simm.s32 $0x9;
	_ =	strace $0x80000048  }
0xb3: {  	_ =	swait.ge [sflag:s29], $0x1  }
0xb4: {  	[sflag:s29] =	ssyncadd.s32 $0xFFFFFFFF  }
0xb5: {  	_ =	strace $0x90000048  }
0xb6: {  	_ =	sfence  }
0xb7: {  	s30 =	sld [smem:$0x0];
	_ =	sdelay $0x2  }
0xb8: {  	s31 =	sshll.u32 s1, $0xD;
	s1 =	sshrl.u32 s1, $0x2  }
0xb9: {  	s3 =	sand.u32 $0x4000, s31;
	s1 =	sadd.s32 s1, s30  }
0xba: {  	s0 =	sor.u32 s3, s0;
	s1 =	sshll.u32 s1, $0x11  }
0xbb: {  	s0 =	sor.u32 s1, s0  }
0xbc: {  	s0 =	sadd.s32 $0x8F2B, s0  }
0xbd: {  	[sflag:s0] =	ssyncadd.remote.s32 $0x1  }
0xbe: {  	_ =	sfence.sel $0xFFFF  }
0xbf: {  	[dreg:$0x0] =	wrdreg $0xFFFFFFFF;
	(pc) =	sbr.abs _section_cstart, $3  }
0xc0: {  	[dreg:$0x1] =	wrdreg $0xFFFFFFFF  }
0xc1: {  	_ =	task.clear_ibuf [dreg:s7], $0x2FFFF;
	_ =	strace $0x9FFFFFFF  }
0xc2: {  	(tm) =	ssettm $0x7FFFFFFF  }
0xc3: {  	_ =	shalt  }
tec
execute0_lowered:
.L_overlay_start_1:
0x0: {  	(tag) =	ssettag $0x1  }
0x1: {  	s1 =	srdreg.scid;
	s9 =	rddreg [dreg:$0x0]  }
0x2: {  	s0 =	stileid.u32;
	s2 =	rddreg [dreg:$0x1];
	s11 =	simm.s32 $0x1  }
0x3: {  	s12 =	simm.s32 $0x100;
	s13 =	simm.s32 $0x2;
	s14 =	simm.s32 $0x1100  }
0x4: {  	s15 =	simm.s32 $0x3;
	s4 =	sand.u32 $0x1, s1;
	s29 =	sshll.u32 s0, $0x1  }
0x5: {  	s16 =	simm.s32 $0x2100;
	s17 =	simm.s32 $0x400;
	s5 =	sor.u32 s4, s29  }
0x6: {  	s18 =	simm.s32 $0x20000;
	s19 =	simm.s32 $0x4;
	s1 =	smul.u32 $0x6400, s5  }
0x7: {  	v0 =	vlaneseq.u32;
	s20 =	simm.s32 $0x6;
	s21 =	simm.s32 $0x3100;
	s3 =	smul.u32 $0x2400, s5  }
0x8: {  	v1 =	vimm.s32 $0x0;
	vm0 =	vcmask $0x300;
	s22 =	simm.s32 $0x5;
	s23 =	simm.s32 $0x0;
	v0 =	vmul.u32 $0x80, v0;
	s30 =	ssub.s32 $0x2, s4  }
0x9: {  	v1 =	vsel vm0, $0x3, v1;
	s4 =	sadd.s32 $0xF42A00, s9;
	s6 =	sand.u32 $0xFC000, s1;
	s7 =	sand.u32 $0x3C00, s3  }
0xa: {  	s31 =	sshrl.u32 s30, $0x1;
	s5 =	smul.u32 $0xC8, s5;
	v2 =	vor.u32 $0x800, v0;
	v3 =	vor.u32 $0x1, v0;
	v4 =	vor.u32 $0x801, v0;
	s6 =	sor.u32 s7, s6  }
0xb: {  	v5 =	vor.u32 $0x2, v0;
	v6 =	vor.u32 $0x802, v0;
	v7 =	vor.u32 $0x3, v0;
	s1 =	rddreg [dreg:$0x2];
	s3 =	simm.s32 $0x0;
	s6 =	sshrl.u32 s6, $0x3  }
0xc: {  	v8 =	vor.u32 $0x803, v0;
	v9 =	vor.u32 $0x4, v0;
	v10 =	vor.u32 $0x804, v0;
	s10 =	ssub.s32 s30, s31;
	[smem:$0x7FF] =	sst s3;
	s8 =	sadd.s32 s6, s9  }
0xd: {  	v11 =	vor.u32 $0x5, v0;
	v12 =	vor.u32 $0x805, v0;
	v13 =	vor.u32 $0x6, v0;
	_ =	strace $0x80000047;
	s9 =	sadd.s32 $0x620, s9;
	s6 =	sadd.s32 $0x600, s8  }
0xe: {  	v14 =	vor.u32 $0x806, v0;
	v15 =	vor.u32 $0x7, v0;
	v16 =	vor.u32 $0x807, v0;
	s7 =	sadd.s32 $0x610, s8;
	s8 =	smax.u32 s10, $0x1;
	s10 =	simm.s32 $0x80  }
.LBB2_1:
0xf: {  	[tilespmem:s3], [sflag:$0x1] =	stream.linear.gather [hbm4b:s6+s3], $0x80, $0x38;
	[tilespmem:$0x4100] =	vst v63  }
0x10: {  	_ = 	snop  }
0x11: {  	[tilespmem:s10], [sflag:$0x2] =	stream.linear.gather [hbm4b:s7+s3], $0x80, $0x38;
	[tilespmem:$0x4100] =	vst v63  }
0x12: {  	_ =	swait.ge [sflag:s11], $0x80  }
0x13: {  	[sflag:s11] =	ssyncset.done $0x0  }
0x14: {  	s24 =	simm.s32 $0x0;
	[sflag:s11] =	ssyncadd.s32 $0xFFFFFF80  }
0x15: {  	[tilespmem:s12], [sflag:$0x3] =	stream.indirect.gather [hbm4b:s4+s10], $0x20, s3, s10, $0xb8;
	[tilespmem:$0x4100] =	vst v63  }
.LBB2_2:
0x16: {  	_ =	swait.ge [sflag:s13], $0x80;
	p0 =	seq.s32 s24, $0x63  }
0x17: {  	[sflag:s13] =	ssyncset.done $0x0;
	p1 =	seq.s32 @!p0 s24, $0x0  }
0x18: {  	[sflag:s13] =	ssyncadd.s32 $0xFFFFFF80;
	p1 =	por p0, !p1  }
0x19: {  	[tilespmem:s14], [sflag:$0x4] =	stream.indirect.gather [hbm4b:s4+s10], $0x20, s10, s10, $0xb8;
	[tilespmem:$0x4100] =	vst v63  }
.Ltmp0:
0x1a: {  	s25 =	sshll.u32 s24, $0x1;
	(pc) =	sbr.rel @!p1 .LBB2_3-.Ltmp0, $4  }
0x1b: {  	s25 =	sadd.s32 s5, s25;
	_ =	swait.ge [sflag:s15], $0x1000  }
0x1c: {  	s26 =	sshll.u32 @!p0 s25, $0x4;
	[sflag:s15] =	ssyncset.done $0x0  }
0x1d: {  	s28 =	simm.s32 @!p0 $0x0;
	s26 =	sadd.s32 @!p0 s9, s26;
	[sflag:s15] =	ssyncadd.s32 $0xFFFFF000  }
0x1e: {  	[tilespmem:s28], [sflag:$0x1] =	stream.linear.gather @!p0 [hbm4b:s26+s28], $0x80, $0x38;
	[tilespmem:$0x4100] =	vst v63  }
.Ltmp1:
0x1f: {  	(pc) =	sbr.rel .LBB2_5-.Ltmp1, $4  }
0x20: {  	_ = 	snop  }
0x21: {  	_ =	swait.ge [sflag:s22], $0x1000  }
0x22: {  	[sflag:s22] =	ssyncset.done $0x0  }
0x23: {  	p0 =	por $0x0, $0x0;
	[sflag:s22] =	ssyncadd.s32 $0xFFFFF000  }
.LBB2_3:
0x24: {  	p0 =	por @!p0 $0x1, $0x1  }
.LBB2_5:
0x25: {  	s26 =	simm.s32 $0x0;
	s31 =	simm.s32 $0x1  }
0x26: {  	s28 =	simm.s32 $0x2;
	s29 =	simm.s32 $0x3;
	v17 =	vmov s26;
	v18 =	vmov s31  }
0x27: {  	v19 =	vmov s28;
	v20 =	vmov s29;
	s31 =	simm.s32 $0x4;
	s28 =	simm.s32 $0x5;
	s29 =	simm.s32 $0x6;
	v17 =	vshrl.u32 v17, $0x3  }
0x28: {  	v21 =	vmov s31;
	v22 =	vmov s28;
	v23 =	vmov s29  }
0x29: {  	s31 =	simm.s32 $0x7;
	s28 =	simm.s32 $0x8;
	s29 =	simm.s32 $0x9;
	v18 =	vshrl.u32 v18, $0x3;
	v19 =	vshrl.u32 v19, $0x3;
	v20 =	vshrl.u32 v20, $0x3  }
0x2a: {  	v24 =	vmov s31;
	v25 =	vmov s28;
	v26 =	vmov s29  }
0x2b: {  	s31 =	simm.s32 $0xA;
	v17 =	vshll.u32 v17, v1;
	v21 =	vshrl.u32 v21, $0x3;
	v22 =	vshrl.u32 v22, $0x3  }
0x2c: {  	s28 =	simm.s32 $0xB;
	s29 =	simm.s32 $0xC;
	v23 =	vshrl.u32 v23, $0x3;
	v18 =	vshll.u32 v18, v1;
	v27 =	vmov s31  }
0x2d: {  	v28 =	vmov s28;
	v29 =	vmov s29;
	v24 =	vshrl.u32 v24, $0x3  }
0x2e: {  	s31 =	simm.s32 $0xD;
	v25 =	vshrl.u32 v25, $0x3;
	v26 =	vshrl.u32 v26, $0x3;
	v17 =	vbroadcast v17, $0x0  }
0x2f: {  	v33 =	vbroadcast v18, $0x0;
	v18 =	vshll.u32 v19, v1;
	v30 =	vmov s31;
	s31 =	simm.s32 $0xF  }
0x30: {  	s26 =	simm.s32 $0x200;
	v22 =	vshll.u32 v22, v1;
	v37 =	vbroadcast v18, $0x0;
	v32 =	vmov s31  }
0x31: {  	v35 =	vld [tilespmem:s26+$0xFFFFFF00];
	v18 =	vshll.u32 v20, v1;
	v36 =	vor.u32 v0, v17;
	v32 =	vshrl.u32 v32, $0x3  }
0x32: {  	v20 =	vld [tilespmem:s26+$0xFFFFFF20];
	v38 =	vor.u32 v3, v33;
	v39 =	vbroadcast v18, $0x0;
	v32 =	vshll.u32 v32, v1  }
0x33: {  	s28 =	simm.s32 $0xE;
	v18 =	vshll.u32 v21, v1;
	v21 =	vld [tilespmem:s26+$0xFFFFFF40];
	v40 =	vor.u32 v5, v37;
	v32 =	vbroadcast v32, $0x0  }
0x34: {  	v31 =	vmov s28;
	v41 =	vbroadcast v18, $0x0;
	v18 =	vld [tilespmem:s26+$0xFFFFFF60];
	v42 =	vor.u32 v7, v39  }
0x35: {  	v19 =	vld [tilespmem:s26+$0xE0];
	v27 =	vshrl.u32 v27, $0x3;
	v28 =	vshrl.u32 v28, $0x3;
	v34 =	vor.u32 v15, v32  }
0x36: {  	s29 =	simm.s32 $0x13;
	v29 =	vshrl.u32 v29, $0x3;
	v45 =	vbroadcast v22, $0x0;
	v22 =	vshll.u32 v23, v1;
	[tilespmem:v36+s16+$0x0] =	vst.idx.msk $0xffff, v35  }
0x37: {  	v43 =	vld [tilespmem:s26+$0xFFFFFF80];
	v62 =	vmov s29;
	v33 =	vor.u32 v4, v33;
	v44 =	vor.u32 v9, v41;
	[tilespmem:v38+s16+$0x0] =	vst.idx.msk $0xffff, v20  }
0x38: {  	v30 =	vshrl.u32 v30, $0x3;
	v55 =	vor.u32 v6, v37;
	v39 =	vor.u32 v8, v39;
	[tilespmem:v40+s16+$0x0] =	vst.idx.msk $0xffff, v21;
	v51 =	vld [tilespmem:s26+$0xFFFFFF30]  }
0x39: {  	v36 =	vbroadcast v22, $0x0;
	v23 =	vor.u32 v16, v32;
	[tilespmem:v42+s16+$0x0] =	vst.idx.msk $0xffff, v18;
	v18 =	vshll.u32 v27, v1;
	v54 =	vld [tilespmem:s26+$0xFFFFFF50]  }
0x3a: {  	v31 =	vshrl.u32 v31, $0x3;
	v20 =	vld [tilespmem:s26+$0xFFFFFFA0];
	[tilespmem:v34+s16+$0x0] =	vst.idx.msk $0xffff, v19;
	v19 =	vshll.u32 v24, v1;
	v24 =	vor.u32 v11, v45  }
0x3b: {  	v21 =	vld [tilespmem:s26+$0xFFFFFFC0];
	v46 =	vbroadcast v19, $0x0;
	v19 =	vshll.u32 v25, v1;
	v25 =	vor.u32 v13, v36  }
0x3c: {  	[tilespmem:v44+s16+$0x0] =	vst.idx.msk $0xffff, v43;
	v48 =	vbroadcast v18, $0x0;
	v22 =	vld [tilespmem:s26+$0xF0];
	v40 =	vbroadcast v19, $0x0;
	v19 =	vshll.u32 v26, v1  }
0x3d: {  	v18 =	vshll.u32 v28, v1;
	[tilespmem:v33+s16+$0x0] =	vst.idx.msk $0xffff, v51;
	v26 =	vld [tilespmem:s26+$0xFFFFFFE0];
	v57 =	vor.u32 v15, v46;
	v47 =	vbroadcast v19, $0x0  }
0x3e: {  	s29 =	simm.s32 $0x15;
	v41 =	vor.u32 v10, v41;
	v27 =	vld [tilespmem:s26+$0x0];
	v18 =	vbroadcast v18, $0x0;
	[tilespmem:v55+s16+$0x0] =	vst.idx.msk $0xffff, v54;
	v58 =	vor.u32 v0, v40  }
0x3f: {  	v50 =	vmov s29;
	v28 =	vld [tilespmem:s26+$0x20];
	v19 =	vshll.u32 v29, v1;
	v59 =	vor.u32 v3, v47;
	[tilespmem:v24+s16+$0x0] =	vst.idx.msk $0xffff, v20  }
0x40: {  	s29 =	simm.s32 $0x17;
	v42 =	vor.u32 v14, v36;
	v19 =	vbroadcast v19, $0x0;
	v24 =	vld [tilespmem:s26+$0x60];
	[tilespmem:v25+s16+$0x0] =	vst.idx.msk $0xffff, v21;
	v25 =	vor.u32 v7, v18  }
0x41: {  	v53 =	vmov s29;
	s29 =	simm.s32 $0x19;
	v20 =	vshll.u32 v30, v1;
	[tilespmem:v23+s16+$0x0] =	vst.idx.msk $0xffff, v22;
	v22 =	vld [tilespmem:s26+$0x40];
	v23 =	vor.u32 v5, v48  }
0x42: {  	s28 =	simm.s32 $0x10;
	v34 =	vmov s29;
	v20 =	vbroadcast v20, $0x0;
	v30 =	vor.u32 v9, v19;
	[tilespmem:v57+s16+$0x0] =	vst.idx.msk $0xffff, v26;
	v26 =	vld [tilespmem:s26+$0x80]  }
0x43: {  	v29 =	vmov s28;
	s28 =	simm.s32 $0x11;
	v21 =	vshll.u32 v31, v1;
	v56 =	vld [tilespmem:s26+$0xFFFFFFB0];
	v57 =	vor.u32 v12, v45;
	[tilespmem:v58+s16+$0x0] =	vst.idx.msk $0xffff, v27  }
0x44: {  	v60 =	vmov s28;
	s28 =	simm.s32 $0x12;
	v21 =	vbroadcast v21, $0x0;
	v31 =	vor.u32 v11, v20;
	v27 =	vld [tilespmem:s26+$0xA0];
	[tilespmem:v59+s16+$0x0] =	vst.idx.msk $0xffff, v28  }
0x45: {  	v43 =	vor.u32 v16, v46;
	v46 =	vor.u32 v6, v48;
	v61 =	vmov s28;
	s28 =	simm.s32 $0x14;
	[tilespmem:v25+s16+$0x0] =	vst.idx.msk $0xffff, v24;
	v25 =	vld [tilespmem:s26+$0xFFFFFF70]  }
0x46: {  	v29 =	vshrl.u32 v29, $0x3;
	v49 =	vmov s28;
	s28 =	simm.s32 $0x16;
	v63 =	vor.u32 v13, v21;
	v28 =	vld [tilespmem:s26+$0xC0];
	[tilespmem:v23+s16+$0x0] =	vst.idx.msk $0xffff, v22  }
0x47: {  	v44 =	vor.u32 v2, v40;
	v36 =	vshrl.u32 v60, $0x3;
	v52 =	vmov s28;
	s28 =	simm.s32 $0x18;
	[tilespmem:v30+s16+$0x0] =	vst.idx.msk $0xffff, v26;
	v26 =	vld [tilespmem:s26+$0xFFFFFF90]  }
0x48: {  	s29 =	simm.s32 $0x1B;
	v33 =	vshrl.u32 v61, $0x3;
	v37 =	vld [tilespmem:s26+$0xFFFFFFD0];
	v45 =	vor.u32 v4, v47;
	v24 =	vmov s28;
	s28 =	simm.s32 $0x1A;
	[tilespmem:v57+s16+$0x0] =	vst.idx.msk $0xffff, v56  }
0x49: {  	v38 =	vld [tilespmem:s26+$0xFFFFFFF0];
	v35 =	vmov s28;
	s28 =	simm.s32 $0x1C;
	v24 =	vshrl.u32 v24, $0x3;
	v30 =	vmov s29;
	s29 =	simm.s32 $0x1D;
	[tilespmem:v31+s16+$0x0] =	vst.idx.msk $0xffff, v27  }
0x4a: {  	v32 =	vmov s28;
	s28 =	simm.s32 $0x1E;
	v22 =	vmov s29;
	v31 =	vshll.u32 v29, v1;
	[tilespmem:v39+s16+$0x0] =	vst.idx.msk $0xffff, v25;
	v39 =	vld [tilespmem:s26+$0x10]  }
0x4b: {  	v40 =	vld [tilespmem:s26+$0x30];
	v23 =	vmov s28;
	v29 =	vshrl.u32 v62, $0x3;
	v27 =	vshrl.u32 v50, $0x3;
	[tilespmem:v63+s16+$0x0] =	vst.idx.msk $0xffff, v28  }
0x4c: {  	s30 =	simm.s32 $0x1F;
	s28 =	sshllo.u32 s24, $0x1;
	s29 =	simm.s32 $0x20;
	v28 =	vshrl.u32 v49, $0x3;
	v25 =	vshrl.u32 v52, $0x3;
	[tilespmem:v41+s16+$0x0] =	vst.idx.msk $0xffff, v26;
	v26 =	vshrl.u32 v53, $0x3;
	v41 =	vld [tilespmem:s26+$0x50]  }
.LBB2_6:
0x4d: {  	p1 =	slt.u32 s29, $0x70;
	v34 =	vshrl.u32 v34, $0x3;
	v47 =	vmov s30;
	[tilespmem:v42+s16+$0x0] =	vst.idx.msk $0xffff, v37;
	v37 =	vld [tilespmem:s26+$0x70];
	v18 =	vor.u32 v8, v18  }
0x4e: {  	v35 =	vshrl.u32 v35, $0x3;
	v19 =	vor.u32 v10, v19;
	v42 =	vshrl.u32 v47, $0x3;
	[tilespmem:v43+s16+$0x0] =	vst.idx.msk $0xffff, v38;
	v38 =	vld [tilespmem:s26+$0x90]  }
0x4f: {  	v30 =	vshrl.u32 v30, $0x3;
	v20 =	vor.u32 v12, v20;
	v42 =	vshll.u32 v42, v1;
	[tilespmem:v44+s16+$0x0] =	vst.idx.msk $0xffff, v39;
	v39 =	vld [tilespmem:s26+$0xB0]  }
0x50: {  	v32 =	vshrl.u32 v32, $0x3;
	v21 =	vor.u32 v14, v21;
	v42 =	vbroadcast v42, $0x0;
	[tilespmem:v45+s16+$0x0] =	vst.idx.msk $0xffff, v40;
	v40 =	vld [tilespmem:s26+$0xD0]  }
0x51: {  	v36 =	vshll.u32 v36, v1;
	v44 =	vor.u32 v2, v17;
	v17 =	vbroadcast v31, $0x0;
	v43 =	vld [tilespmem:s26+$0xFFFFFF10];
	[tilespmem:v46+s16+$0x0] =	vst.idx.msk $0xffff, v41;
	s26 =	sadd.s32 $0x200, s26  }
0x52: {  	v33 =	vshll.u32 v33, v1;
	v31 =	vbroadcast v36, $0x0;
	v36 =	vld [tilespmem:s26+$0xE0];
	v41 =	vor.u32 v15, v42;
	[tilespmem:v18+s16+$0x0] =	vst.idx.msk $0xffff, v37  }
0x53: {  	v29 =	vshll.u32 v29, v1;
	v33 =	vbroadcast v33, $0x0;
	v37 =	vor.u32 v0, v17;
	v18 =	vld [tilespmem:s26+$0xFFFFFF00];
	[tilespmem:v19+s16+$0x0] =	vst.idx.msk $0xffff, v38  }
0x54: {  	v28 =	vshll.u32 v28, v1;
	v29 =	vbroadcast v29, $0x0;
	v38 =	vor.u32 v3, v31;
	v19 =	vld [tilespmem:s26+$0xFFFFFF20];
	[tilespmem:v20+s16+$0x0] =	vst.idx.msk $0xffff, v39  }
0x55: {  	v22 =	vshrl.u32 v22, $0x3;
	v28 =	vbroadcast v28, $0x0;
	v39 =	vor.u32 v5, v33;
	v20 =	vld [tilespmem:s26+$0xFFFFFF40];
	[tilespmem:v21+s16+$0x0] =	vst.idx.msk $0xffff, v40  }
0x56: {  	v27 =	vshll.u32 v27, v1;
	v23 =	vshrl.u32 v23, $0x3;
	v40 =	vor.u32 v7, v29;
	v21 =	vld [tilespmem:s26+$0xFFFFFF60];
	[tilespmem:v44+s16+$0x0] =	vst.idx.msk $0xffff, v43  }
0x57: {  	v25 =	vshll.u32 v25, v1;
	v27 =	vbroadcast v27, $0x0;
	v44 =	vor.u32 v9, v28;
	v43 =	vld [tilespmem:s26+$0xFFFFFF80];
	[tilespmem:v41+s16+$0x0] =	vst.idx.msk $0xffff, v36  }
0x58: {  	v25 =	vbroadcast v25, $0x0;
	v36 =	vor.u32 v16, v42;
	[tilespmem:v37+s16+$0x0] =	vst.idx.msk $0xffff, v18;
	v18 =	vshll.u32 v26, v1;
	v26 =	vld [tilespmem:s26+$0xF0]  }
0x59: {  	v37 =	vor.u32 v11, v27;
	[tilespmem:v38+s16+$0x0] =	vst.idx.msk $0xffff, v19;
	v19 =	vld [tilespmem:s26+$0xFFFFFFA0];
	v41 =	vbroadcast v18, $0x0;
	v18 =	vshll.u32 v24, v1  }
0x5a: {  	v24 =	vor.u32 v13, v25;
	[tilespmem:v39+s16+$0x0] =	vst.idx.msk $0xffff, v20;
	v20 =	vld [tilespmem:s26+$0xFFFFFFC0];
	v45 =	vbroadcast v18, $0x0;
	v18 =	vshll.u32 v34, v1  }
0x5b: {  	[tilespmem:v40+s16+$0x0] =	vst.idx.msk $0xffff, v21;
	v21 =	vld [tilespmem:s26+$0xFFFFFFE0];
	v34 =	vor.u32 v15, v41;
	v46 =	vbroadcast v18, $0x0;
	v18 =	vshll.u32 v35, v1  }
0x5c: {  	[tilespmem:v44+s16+$0x0] =	vst.idx.msk $0xffff, v43;
	v35 =	vld [tilespmem:s26+$0x0];
	v38 =	vor.u32 v0, v45;
	v47 =	vbroadcast v18, $0x0;
	v18 =	vshll.u32 v30, v1  }
0x5d: {  	v32 =	vshll.u32 v32, v1;
	v30 =	vld [tilespmem:s26+$0x20];
	v39 =	vor.u32 v3, v46;
	v18 =	vbroadcast v18, $0x0;
	[tilespmem:v36+s16+$0x0] =	vst.idx.msk $0xffff, v26  }
0x5e: {  	v22 =	vshll.u32 v22, v1;
	[tilespmem:v37+s16+$0x0] =	vst.idx.msk $0xffff, v19;
	v26 =	vld [tilespmem:s26+$0x40];
	v36 =	vor.u32 v5, v47;
	v19 =	vbroadcast v32, $0x0  }
0x5f: {  	[tilespmem:v24+s16+$0x0] =	vst.idx.msk $0xffff, v20;
	v24 =	vld [tilespmem:s26+$0x60];
	v32 =	vor.u32 v7, v18;
	v20 =	vbroadcast v22, $0x0;
	v22 =	vshll.u32 v23, v1  }
0x60: {  	s30 =	sadd.s32 $0x1, s29;
	v23 =	vmov s29;
	[tilespmem:v34+s16+$0x0] =	vst.idx.msk $0xffff, v21;
	v37 =	vld [tilespmem:s26+$0x80];
	v40 =	vor.u32 v9, v19;
	v21 =	vbroadcast v22, $0x0  }
0x61: {  	s31 =	sadd.s32 $0x3, s29;
	v43 =	vmov s30;
	s30 =	sadd.s32 $0x2, s29;
	v23 =	vshrl.u32 v23, $0x3;
	[tilespmem:v38+s16+$0x0] =	vst.idx.msk $0xffff, v35;
	v22 =	vld [tilespmem:s26+$0xA0];
	v38 =	vor.u32 v11, v20  }
0x62: {  	v48 =	vmov s31;
	s31 =	sadd.s32 $0x5, s29;
	v44 =	vmov s30;
	s30 =	sadd.s32 $0x4, s29;
	[tilespmem:v39+s16+$0x0] =	vst.idx.msk $0xffff, v30;
	v39 =	vld [tilespmem:s26+$0xC0];
	v42 =	vor.u32 v13, v21  }
0x63: {  	v50 =	vmov s31;
	s31 =	sadd.s32 $0x7, s29;
	v52 =	vor.u32 v4, v31;
	v49 =	vmov s30;
	s30 =	sadd.s32 $0x6, s29;
	v51 =	vld [tilespmem:s26+$0xFFFFFF30];
	[tilespmem:v36+s16+$0x0] =	vst.idx.msk $0xffff, v26  }
0x64: {  	v53 =	vmov s31;
	s31 =	sadd.s32 $0x9, s29;
	v55 =	vor.u32 v6, v33;
	v26 =	vmov s30;
	s30 =	sadd.s32 $0x8, s29;
	v54 =	vld [tilespmem:s26+$0xFFFFFF50];
	[tilespmem:v32+s16+$0x0] =	vst.idx.msk $0xffff, v24  }
0x65: {  	v57 =	vor.u32 v8, v29;
	v34 =	vmov s31;
	s31 =	sadd.s32 $0xB, s29;
	v24 =	vmov s30;
	s30 =	sadd.s32 $0xA, s29;
	v56 =	vld [tilespmem:s26+$0xFFFFFF70];
	[tilespmem:v40+s16+$0x0] =	vst.idx.msk $0xffff, v37  }
0x66: {  	v58 =	vor.u32 v10, v28;
	v30 =	vmov s31;
	s31 =	sadd.s32 $0xD, s29;
	v35 =	vmov s30;
	s30 =	sadd.s32 $0xC, s29;
	v40 =	vld [tilespmem:s26+$0xFFFFFF90];
	[tilespmem:v38+s16+$0x0] =	vst.idx.msk $0xffff, v22  }
0x67: {  	v60 =	vor.u32 v12, v27;
	v32 =	vmov s30;
	v22 =	vmov s31;
	s30 =	sadd.s32 $0xE, s29;
	v59 =	vld [tilespmem:s26+$0xFFFFFFB0];
	[tilespmem:v42+s16+$0x0] =	vst.idx.msk $0xffff, v39  }
.Ltmp2:
0x68: {  	v31 =	vshll.u32 v23, v1;
	v23 =	vmov s30;
	v42 =	vor.u32 v14, v25;
	[tilespmem:v52+s16+$0x0] =	vst.idx.msk $0xffff, v51;
	v37 =	vld [tilespmem:s26+$0xFFFFFFD0];
	(pc) =	sbr.rel @p1 .LBB2_6-.Ltmp2, $4  }
0x69: {  	v33 =	vshrl.u32 v44, $0x3;
	v36 =	vshrl.u32 v43, $0x3;
	v43 =	vor.u32 v16, v41;
	[tilespmem:v55+s16+$0x0] =	vst.idx.msk $0xffff, v54;
	v38 =	vld [tilespmem:s26+$0xFFFFFFF0]  }
0x6a: {  	v29 =	vshrl.u32 v48, $0x3;
	v44 =	vor.u32 v2, v45;
	v28 =	vshrl.u32 v49, $0x3;
	[tilespmem:v57+s16+$0x0] =	vst.idx.msk $0xffff, v56;
	v39 =	vld [tilespmem:s26+$0x10]  }
0x6b: {  	v27 =	vshrl.u32 v50, $0x3;
	v45 =	vor.u32 v4, v46;
	v25 =	vshrl.u32 v26, $0x3;
	[tilespmem:v58+s16+$0x0] =	vst.idx.msk $0xffff, v40;
	v40 =	vld [tilespmem:s26+$0x30]  }
0x6c: {  	v46 =	vor.u32 v6, v47;
	v24 =	vshrl.u32 v24, $0x3;
	v26 =	vshrl.u32 v53, $0x3;
	s30 =	sadd.s32 $0xF, s29;
	s29 =	sadd.s32 $0x10, s29;
	[tilespmem:v60+s16+$0x0] =	vst.idx.msk $0xffff, v59;
	v41 =	vld [tilespmem:s26+$0x50]  }
0x6d: {  	_ =	sdelay $0x2  }
0x6e: {  	v34 =	vshrl.u32 v34, $0x3  }
0x6f: {  	v47 =	vmov s30;
	[tilespmem:v42+s16+$0x0] =	vst.idx.msk $0xffff, v37;
	v52 =	vld [tilespmem:s26+$0x70];
	v53 =	vor.u32 v8, v18;
	v19 =	vor.u32 v10, v19  }
0x70: {  	v54 =	vld [tilespmem:s26+$0x90];
	v30 =	vshrl.u32 v30, $0x3;
	v20 =	vor.u32 v12, v20;
	v21 =	vor.u32 v14, v21;
	[tilespmem:v43+s16+$0x0] =	vst.idx.msk $0xffff, v38  }
0x71: {  	v55 =	vld [tilespmem:s26+$0xB0];
	v32 =	vshrl.u32 v32, $0x3;
	v58 =	vshll.u32 v36, v1;
	v29 =	vshll.u32 v29, v1;
	[tilespmem:v44+s16+$0x0] =	vst.idx.msk $0xffff, v39  }
0x72: {  	v57 =	vld [tilespmem:s26+$0xD0];
	v33 =	vshll.u32 v33, v1;
	v18 =	vshrl.u32 v47, $0x3;
	v29 =	vbroadcast v29, $0x0;
	[tilespmem:v45+s16+$0x0] =	vst.idx.msk $0xffff, v40  }
0x73: {  	v59 =	vld [tilespmem:s26+$0xFFFFFF10];
	v17 =	vor.u32 v2, v17;
	s29 =	sadd.s32 $0x200, s26;
	v33 =	vbroadcast v33, $0x0;
	v18 =	vshll.u32 v18, v1;
	[tilespmem:v46+s16+$0x0] =	vst.idx.msk $0xffff, v41  }
0x74: {  	v28 =	vshll.u32 v28, v1;
	v48 =	vld [tilespmem:s29+$0xFFFFFF60];
	v56 =	vbroadcast v18, $0x0;
	v49 =	vor.u32 v7, v29;
	[tilespmem:v53+s16+$0x0] =	vst.idx.msk $0xffff, v52  }
0x75: {  	v27 =	vshll.u32 v27, v1;
	v18 =	vbroadcast v31, $0x0;
	v47 =	vor.u32 v5, v33;
	v46 =	vld [tilespmem:s29+$0xFFFFFF40];
	[tilespmem:v19+s16+$0x0] =	vst.idx.msk $0xffff, v54  }
0x76: {  	v23 =	vshrl.u32 v23, $0x3;
	v60 =	vld [tilespmem:s29+$0xE0];
	v31 =	vbroadcast v58, $0x0;
	v61 =	vor.u32 v15, v56;
	[tilespmem:v20+s16+$0x0] =	vst.idx.msk $0xffff, v55  }
0x77: {  	v25 =	vshll.u32 v25, v1;
	v62 =	vld [tilespmem:s29+$0xFFFFFF00];
	v28 =	vbroadcast v28, $0x0;
	v63 =	vor.u32 v0, v18;
	[tilespmem:v21+s16+$0x0] =	vst.idx.msk $0xffff, v57  }
0x78: {  	v26 =	vshll.u32 v26, v1;
	v25 =	vbroadcast v25, $0x0;
	v19 =	vld [tilespmem:s29+$0xFFFFFF20];
	v45 =	vor.u32 v3, v31;
	[tilespmem:v17+s16+$0x0] =	vst.idx.msk $0xffff, v59  }
0x79: {  	v26 =	vbroadcast v26, $0x0;
	v23 =	vshll.u32 v23, v1;
	v50 =	vor.u32 v9, v28;
	v17 =	vld [tilespmem:s29+$0xFFFFFF80];
	[tilespmem:v49+s16+$0x0] =	vst.idx.msk $0xffff, v48  }
0x7a: {  	v24 =	vshll.u32 v24, v1;
	v23 =	vbroadcast v23, $0x0;
	v54 =	vld [tilespmem:s29+$0xFFFFFFC0];
	v55 =	vor.u32 v13, v25;
	[tilespmem:v47+s16+$0x0] =	vst.idx.msk $0xffff, v46  }
0x7b: {  	v27 =	vbroadcast v27, $0x0;
	v52 =	vor.u32 v16, v56;
	v56 =	vld [tilespmem:s29+$0xFFFFFFE0];
	v57 =	vor.u32 v15, v26;
	[tilespmem:v61+s16+$0x0] =	vst.idx.msk $0xffff, v60  }
0x7c: {  	v24 =	vbroadcast v24, $0x0;
	v34 =	vshll.u32 v34, v1;
	v48 =	vld [tilespmem:s29+$0xC0];
	v49 =	vor.u32 v13, v23;
	[tilespmem:v63+s16+$0x0] =	vst.idx.msk $0xffff, v62  }
0x7d: {  	v30 =	vshll.u32 v30, v1;
	v34 =	vbroadcast v34, $0x0;
	v53 =	vor.u32 v11, v27;
	[tilespmem:v45+s16+$0x0] =	vst.idx.msk $0xffff, v19;
	v19 =	vld [tilespmem:s29+$0xFFFFFFA0]  }
0x7e: {  	v32 =	vshll.u32 v32, v1;
	v30 =	vbroadcast v30, $0x0;
	v58 =	vor.u32 v0, v24;
	[tilespmem:v50+s16+$0x0] =	vst.idx.msk $0xffff, v17;
	v17 =	vld [tilespmem:s29+$0x0]  }
0x7f: {  	v32 =	vbroadcast v32, $0x0;
	v59 =	vld [tilespmem:s29+$0x20];
	v60 =	vor.u32 v3, v34;
	[tilespmem:v55+s16+$0x0] =	vst.idx.msk $0xffff, v54  }
0x80: {  	v35 =	vshrl.u32 v35, $0x3;
	v62 =	vld [tilespmem:s29+$0x60];
	v63 =	vor.u32 v7, v30;
	[tilespmem:v57+s16+$0x0] =	vst.idx.msk $0xffff, v56  }
0x81: {  	v22 =	vshrl.u32 v22, $0x3;
	v35 =	vshll.u32 v35, v1;
	v46 =	vor.u32 v9, v32;
	v45 =	vld [tilespmem:s29+$0x80];
	[tilespmem:v49+s16+$0x0] =	vst.idx.msk $0xffff, v48  }
0x82: {  	v22 =	vshll.u32 v22, v1;
	v35 =	vbroadcast v35, $0x0;
	v51 =	vld [tilespmem:s29+$0xF0];
	[tilespmem:v53+s16+$0x0] =	vst.idx.msk $0xffff, v19  }
0x83: {  	v22 =	vbroadcast v22, $0x0;
	v31 =	vor.u32 v4, v31;
	v50 =	vld [tilespmem:s29+$0xFFFFFF30];
	[tilespmem:v58+s16+$0x0] =	vst.idx.msk $0xffff, v17  }
0x84: {  	v61 =	vor.u32 v5, v35;
	v19 =	vld [tilespmem:s29+$0x40];
	[tilespmem:v60+s16+$0x0] =	vst.idx.msk $0xffff, v59  }
0x85: {  	v47 =	vor.u32 v11, v22;
	v17 =	vld [tilespmem:s29+$0xA0];
	[tilespmem:v63+s16+$0x0] =	vst.idx.msk $0xffff, v62  }
0x86: {  	v25 =	vor.u32 v14, v25;
	[tilespmem:v46+s16+$0x0] =	vst.idx.msk $0xffff, v45;
	v53 =	vld [tilespmem:s29+$0xFFFFFFD0]  }
0x87: {  	v23 =	vor.u32 v14, v23;
	v62 =	vld [tilespmem:s29+$0xD0];
	[tilespmem:v52+s16+$0x0] =	vst.idx.msk $0xffff, v51  }
0x88: {  	v18 =	vor.u32 v2, v18;
	v63 =	vld [tilespmem:s29+$0xFFFFFF10];
	[tilespmem:v31+s16+$0x0] =	vst.idx.msk $0xffff, v50  }
0x89: {  	v33 =	vor.u32 v6, v33;
	[tilespmem:v61+s16+$0x0] =	vst.idx.msk $0xffff, v19;
	v19 =	vld [tilespmem:s29+$0xFFFFFF50]  }
0x8a: {  	v29 =	vor.u32 v8, v29;
	v51 =	vld [tilespmem:s29+$0xFFFFFF70];
	[tilespmem:v47+s16+$0x0] =	vst.idx.msk $0xffff, v17  }
0x8b: {  	v28 =	vor.u32 v10, v28;
	v52 =	vld [tilespmem:s29+$0xFFFFFF90];
	[tilespmem:v25+s16+$0x0] =	vst.idx.msk $0xffff, v53  }
0x8c: {  	v24 =	vor.u32 v2, v24;
	v54 =	vld [tilespmem:s29+$0x10];
	[tilespmem:v23+s16+$0x0] =	vst.idx.msk $0xffff, v62  }
0x8d: {  	v27 =	vor.u32 v12, v27;
	v17 =	vld [tilespmem:s29+$0xFFFFFFB0];
	[tilespmem:v18+s16+$0x0] =	vst.idx.msk $0xffff, v63  }
0x8e: {  	v26 =	vor.u32 v16, v26;
	[tilespmem:v33+s16+$0x0] =	vst.idx.msk $0xffff, v19;
	v19 =	vld [tilespmem:s29+$0xFFFFFFF0]  }
0x8f: {  	v56 =	vor.u32 v4, v34;
	v55 =	vld [tilespmem:s29+$0x30];
	[tilespmem:v29+s16+$0x0] =	vst.idx.msk $0xffff, v51  }
0x90: {  	v59 =	vor.u32 v8, v30;
	v58 =	vld [tilespmem:s29+$0x70];
	[tilespmem:v28+s16+$0x0] =	vst.idx.msk $0xffff, v52  }
0x91: {  	v22 =	vor.u32 v12, v22;
	[tilespmem:v24+s16+$0x0] =	vst.idx.msk $0xffff, v54;
	v61 =	vld [tilespmem:s29+$0xB0]  }
0x92: {  	v57 =	vor.u32 v6, v35;
	[tilespmem:v27+s16+$0x0] =	vst.idx.msk $0xffff, v17;
	v17 =	vld [tilespmem:s29+$0x50]  }
0x93: {  	v60 =	vor.u32 v10, v32;
	[tilespmem:v26+s16+$0x0] =	vst.idx.msk $0xffff, v19;
	v19 =	vld [tilespmem:s29+$0x90]  }
0x94: {  	[tilespmem:v56+s16+$0x0] =	vst.idx.msk $0xffff, v55  }
0x95: {  	s30 =	sshll.u32 s25, $0x7;
	p1 =	sne.s32 s24, $0x63;
	[tilespmem:v59+s16+$0x0] =	vst.idx.msk $0xffff, v58  }
.Ltmp3:
0x96: {  	s31 =	sshll.u32 s25, $0x9;
	s26 =	sand.u32 $0x3F00, s30;
	[tilespmem:v22+s16+$0x0] =	vst.idx.msk $0xffff, v61;
	(pc) =	sbr.rel @p1 .LBB2_9-.Ltmp3, $4  }
0x97: {  	s25 =	sand.u32 $0xFFF0000, s31;
	s26 =	sadd.s32 s2, s26;
	[tilespmem:v57+s16+$0x0] =	vst.idx.msk $0xffff, v17  }
0x98: {  	s25 =	sadd.s32 s25, s26;
	[tilespmem:v60+s16+$0x0] =	vst.idx.msk $0xffff, v19  }
0x99: {  	[hbm4b:s25+s17] =	stream.strided.scatter [tilespmem:s16], [sflag:$0x5], $0x1000, s18, s17, $0x38;
	[tilespmem:$0x4100] =	vst v63  }
0x9a: {  	s25 =	sadd.s32 s5, s28  }
.Ltmp4:
0x9b: {  	(pc) =	sbr.rel .LBB2_10-.Ltmp4, $4  }
0x9c: {  	_ = 	snop  }
0x9d: {  	_ =	swait.ge [sflag:s19], $0x1000  }
0x9e: {  	[sflag:s19] =	ssyncset.done $0x0  }
0x9f: {  	[sflag:s19] =	ssyncadd.s32 $0xFFFFF000  }
.LBB2_9:
0xa0: {  	_ =	swait.ge [sflag:s11], $0x80  }
0xa1: {  	[sflag:s11] =	ssyncset.done $0x0  }
0xa2: {  	[sflag:s11] =	ssyncadd.s32 $0xFFFFFF80  }
0xa3: {  	[tilespmem:s12], [sflag:$0x3] =	stream.indirect.gather [hbm4b:s4+s10], $0x20, s3, s10, $0xb8;
	[tilespmem:$0x4100] =	vst v63  }
.Ltmp5:
0xa4: {  	_ = 	snop;
	(pc) =	sbr.rel @p0 .LBB2_11-.Ltmp5, $4  }
0xa5: {  	_ =	swait.ge [sflag:s19], $0x1000  }
0xa6: {  	s26 =	sshll.u32 s25, $0x4;
	[sflag:s19] =	ssyncset.done $0x0  }
0xa7: {  	s26 =	sadd.s32 s9, s26;
	[sflag:s19] =	ssyncadd.s32 $0xFFFFF000  }
0xa8: {  	[tilespmem:s10], [sflag:$0x2] =	stream.linear.gather [hbm4b:s26+s3], $0x80, $0x38;
	[tilespmem:$0x4100] =	vst v63  }
.LBB2_10:
0xa9: {  	_ =	swait.ge [sflag:s20], $0x1000  }
0xaa: {  	[sflag:s20] =	ssyncset.done $0x0  }
0xab: {  	[sflag:s20] =	ssyncadd.s32 $0xFFFFF000  }
.LBB2_11:
0xac: {  	s26 =	simm.s32 $0x0;
	s30 =	simm.s32 $0x1  }
0xad: {  	s28 =	simm.s32 $0x2;
	s29 =	simm.s32 $0x3;
	s31 =	simm.s32 $0x4;
	v17 =	vmov s26;
	v18 =	vmov s30  }
0xae: {  	v19 =	vmov s28;
	v20 =	vmov s29;
	s28 =	simm.s32 $0x5;
	s29 =	simm.s32 $0x6;
	v21 =	vmov s31  }
0xaf: {  	s30 =	simm.s32 $0x7;
	s31 =	simm.s32 $0xA;
	v17 =	vshrl.u32 v17, $0x3;
	v22 =	vmov s28;
	v23 =	vmov s29  }
0xb0: {  	v24 =	vmov s30;
	v27 =	vmov s31;
	v18 =	vshrl.u32 v18, $0x3  }
0xb1: {  	s28 =	simm.s32 $0x8;
	s29 =	simm.s32 $0x9;
	s30 =	simm.s32 $0xD;
	v19 =	vshrl.u32 v19, $0x3;
	v20 =	vshrl.u32 v20, $0x3;
	v21 =	vshrl.u32 v21, $0x3  }
0xb2: {  	s31 =	simm.s32 $0xF;
	v25 =	vmov s28;
	v26 =	vmov s29;
	v30 =	vmov s30  }
0xb3: {  	v17 =	vshll.u32 v17, v1;
	v22 =	vshrl.u32 v22, $0x3;
	v32 =	vmov s31  }
0xb4: {  	s28 =	simm.s32 $0xB;
	s29 =	simm.s32 $0xC;
	v23 =	vshrl.u32 v23, $0x3;
	v24 =	vshrl.u32 v24, $0x3;
	v27 =	vshrl.u32 v27, $0x3  }
0xb5: {  	v18 =	vshll.u32 v18, v1;
	v28 =	vmov s28;
	v29 =	vmov s29  }
0xb6: {  	v32 =	vshrl.u32 v32, $0x3;
	v25 =	vshrl.u32 v25, $0x3;
	v17 =	vbroadcast v17, $0x0  }
0xb7: {  	s26 =	simm.s32 $0x1200;
	v26 =	vshrl.u32 v26, $0x3;
	v33 =	vbroadcast v18, $0x0;
	v18 =	vshll.u32 v19, v1  }
0xb8: {  	v35 =	vld [tilespmem:s26+$0xFFFFFF00];
	v32 =	vshll.u32 v32, v1;
	v37 =	vbroadcast v18, $0x0;
	v36 =	vor.u32 v0, v17  }
0xb9: {  	v18 =	vshll.u32 v20, v1;
	v20 =	vld [tilespmem:s26+$0xFFFFFF20];
	v32 =	vbroadcast v32, $0x0;
	v38 =	vor.u32 v3, v33  }
0xba: {  	v39 =	vbroadcast v18, $0x0;
	v18 =	vshll.u32 v21, v1;
	v21 =	vld [tilespmem:s26+$0xFFFFFF40];
	v40 =	vor.u32 v5, v37  }
0xbb: {  	s28 =	simm.s32 $0xE;
	v19 =	vld [tilespmem:s26+$0xE0];
	v30 =	vshrl.u32 v30, $0x3;
	v22 =	vshll.u32 v22, v1;
	v34 =	vor.u32 v15, v32  }
0xbc: {  	v31 =	vmov s28;
	v41 =	vbroadcast v18, $0x0;
	v18 =	vld [tilespmem:s26+$0xFFFFFF60];
	v42 =	vor.u32 v7, v39  }
0xbd: {  	s29 =	simm.s32 $0x13;
	v28 =	vshrl.u32 v28, $0x3;
	v29 =	vshrl.u32 v29, $0x3;
	v45 =	vbroadcast v22, $0x0;
	[tilespmem:v36+s21+$0x0] =	vst.idx.msk $0xffff, v35  }
0xbe: {  	v43 =	vld [tilespmem:s26+$0xFFFFFF80];
	v22 =	vshll.u32 v23, v1;
	v62 =	vmov s29;
	v44 =	vor.u32 v9, v41;
	[tilespmem:v38+s21+$0x0] =	vst.idx.msk $0xffff, v20  }
0xbf: {  	v31 =	vshrl.u32 v31, $0x3;
	v33 =	vor.u32 v4, v33;
	v55 =	vor.u32 v6, v37;
	[tilespmem:v40+s21+$0x0] =	vst.idx.msk $0xffff, v21;
	v51 =	vld [tilespmem:s26+$0xFFFFFF30]  }
0xc0: {  	s29 =	simm.s32 $0x15;
	v36 =	vbroadcast v22, $0x0;
	v20 =	vld [tilespmem:s26+$0xFFFFFFA0];
	[tilespmem:v34+s21+$0x0] =	vst.idx.msk $0xffff, v19;
	v19 =	vshll.u32 v24, v1;
	v24 =	vor.u32 v11, v45  }
0xc1: {  	v50 =	vmov s29;
	v23 =	vor.u32 v16, v32;
	[tilespmem:v42+s21+$0x0] =	vst.idx.msk $0xffff, v18;
	v18 =	vshll.u32 v27, v1;
	v54 =	vld [tilespmem:s26+$0xFFFFFF50]  }
0xc2: {  	v21 =	vld [tilespmem:s26+$0xFFFFFFC0];
	v46 =	vbroadcast v19, $0x0;
	v19 =	vshll.u32 v25, v1;
	v25 =	vor.u32 v13, v36  }
0xc3: {  	v22 =	vld [tilespmem:s26+$0xF0];
	[tilespmem:v44+s21+$0x0] =	vst.idx.msk $0xffff, v43;
	v48 =	vbroadcast v18, $0x0;
	v40 =	vbroadcast v19, $0x0;
	v19 =	vshll.u32 v26, v1  }
0xc4: {  	v18 =	vshll.u32 v28, v1;
	v26 =	vld [tilespmem:s26+$0xFFFFFFE0];
	v57 =	vor.u32 v15, v46;
	v47 =	vbroadcast v19, $0x0;
	[tilespmem:v33+s21+$0x0] =	vst.idx.msk $0xffff, v51  }
0xc5: {  	s29 =	simm.s32 $0x17;
	v39 =	vor.u32 v8, v39;
	v27 =	vld [tilespmem:s26+$0x0];
	v18 =	vbroadcast v18, $0x0;
	v58 =	vor.u32 v0, v40;
	[tilespmem:v24+s21+$0x0] =	vst.idx.msk $0xffff, v20  }
0xc6: {  	v53 =	vmov s29;
	v28 =	vld [tilespmem:s26+$0x20];
	v19 =	vshll.u32 v29, v1;
	v59 =	vor.u32 v3, v47;
	[tilespmem:v55+s21+$0x0] =	vst.idx.msk $0xffff, v54  }
0xc7: {  	s29 =	simm.s32 $0x19;
	v41 =	vor.u32 v10, v41;
	v19 =	vbroadcast v19, $0x0;
	v24 =	vld [tilespmem:s26+$0x60];
	[tilespmem:v25+s21+$0x0] =	vst.idx.msk $0xffff, v21;
	v25 =	vor.u32 v7, v18  }
0xc8: {  	v34 =	vmov s29;
	v20 =	vshll.u32 v30, v1;
	[tilespmem:v23+s21+$0x0] =	vst.idx.msk $0xffff, v22;
	v22 =	vld [tilespmem:s26+$0x40];
	v23 =	vor.u32 v5, v48  }
0xc9: {  	s28 =	simm.s32 $0x10;
	v42 =	vor.u32 v14, v36;
	v20 =	vbroadcast v20, $0x0;
	v30 =	vor.u32 v9, v19;
	[tilespmem:v57+s21+$0x0] =	vst.idx.msk $0xffff, v26;
	v26 =	vld [tilespmem:s26+$0x80]  }
0xca: {  	v29 =	vmov s28;
	s28 =	simm.s32 $0x11;
	v21 =	vshll.u32 v31, v1;
	v56 =	vld [tilespmem:s26+$0xFFFFFFB0];
	v57 =	vor.u32 v12, v45;
	[tilespmem:v58+s21+$0x0] =	vst.idx.msk $0xffff, v27  }
0xcb: {  	v60 =	vmov s28;
	s28 =	simm.s32 $0x12;
	v21 =	vbroadcast v21, $0x0;
	v31 =	vor.u32 v11, v20;
	v27 =	vld [tilespmem:s26+$0xA0];
	[tilespmem:v59+s21+$0x0] =	vst.idx.msk $0xffff, v28  }
0xcc: {  	v43 =	vor.u32 v16, v46;
	v46 =	vor.u32 v6, v48;
	v61 =	vmov s28;
	s28 =	simm.s32 $0x14;
	[tilespmem:v25+s21+$0x0] =	vst.idx.msk $0xffff, v24;
	v25 =	vld [tilespmem:s26+$0xFFFFFF70]  }
0xcd: {  	v29 =	vshrl.u32 v29, $0x3;
	v49 =	vmov s28;
	s28 =	simm.s32 $0x16;
	v63 =	vor.u32 v13, v21;
	v28 =	vld [tilespmem:s26+$0xC0];
	[tilespmem:v23+s21+$0x0] =	vst.idx.msk $0xffff, v22  }
0xce: {  	v44 =	vor.u32 v2, v40;
	v36 =	vshrl.u32 v60, $0x3;
	v52 =	vmov s28;
	s28 =	simm.s32 $0x18;
	[tilespmem:v30+s21+$0x0] =	vst.idx.msk $0xffff, v26;
	v26 =	vld [tilespmem:s26+$0xFFFFFF90]  }
0xcf: {  	s29 =	simm.s32 $0x1B;
	v33 =	vshrl.u32 v61, $0x3;
	v37 =	vld [tilespmem:s26+$0xFFFFFFD0];
	v45 =	vor.u32 v4, v47;
	v24 =	vmov s28;
	s28 =	simm.s32 $0x1A;
	[tilespmem:v57+s21+$0x0] =	vst.idx.msk $0xffff, v56  }
0xd0: {  	v38 =	vld [tilespmem:s26+$0xFFFFFFF0];
	v35 =	vmov s28;
	s28 =	simm.s32 $0x1C;
	v24 =	vshrl.u32 v24, $0x3;
	v30 =	vmov s29;
	s29 =	simm.s32 $0x1D;
	[tilespmem:v31+s21+$0x0] =	vst.idx.msk $0xffff, v27  }
0xd1: {  	v32 =	vmov s28;
	s28 =	simm.s32 $0x1E;
	v22 =	vmov s29;
	v31 =	vshll.u32 v29, v1;
	[tilespmem:v39+s21+$0x0] =	vst.idx.msk $0xffff, v25;
	v39 =	vld [tilespmem:s26+$0x10]  }
0xd2: {  	v40 =	vld [tilespmem:s26+$0x30];
	v23 =	vmov s28;
	v29 =	vshrl.u32 v62, $0x3;
	v27 =	vshrl.u32 v50, $0x3;
	[tilespmem:v63+s21+$0x0] =	vst.idx.msk $0xffff, v28  }
0xd3: {  	s29 =	simm.s32 $0x1F;
	s28 =	simm.s32 $0x20;
	v28 =	vshrl.u32 v49, $0x3;
	v25 =	vshrl.u32 v52, $0x3;
	[tilespmem:v41+s21+$0x0] =	vst.idx.msk $0xffff, v26;
	v26 =	vshrl.u32 v53, $0x3;
	v41 =	vld [tilespmem:s26+$0x50]  }
.LBB2_12:
0xd4: {  	p0 =	slt.u32 s28, $0x70;
	v34 =	vshrl.u32 v34, $0x3;
	v47 =	vmov s29;
	[tilespmem:v42+s21+$0x0] =	vst.idx.msk $0xffff, v37;
	v37 =	vld [tilespmem:s26+$0x70];
	v18 =	vor.u32 v8, v18  }
0xd5: {  	v35 =	vshrl.u32 v35, $0x3;
	v19 =	vor.u32 v10, v19;
	v42 =	vshrl.u32 v47, $0x3;
	[tilespmem:v43+s21+$0x0] =	vst.idx.msk $0xffff, v38;
	v38 =	vld [tilespmem:s26+$0x90]  }
0xd6: {  	v30 =	vshrl.u32 v30, $0x3;
	v20 =	vor.u32 v12, v20;
	v42 =	vshll.u32 v42, v1;
	[tilespmem:v44+s21+$0x0] =	vst.idx.msk $0xffff, v39;
	v39 =	vld [tilespmem:s26+$0xB0]  }
0xd7: {  	v32 =	vshrl.u32 v32, $0x3;
	v21 =	vor.u32 v14, v21;
	v42 =	vbroadcast v42, $0x0;
	[tilespmem:v45+s21+$0x0] =	vst.idx.msk $0xffff, v40;
	v40 =	vld [tilespmem:s26+$0xD0]  }
0xd8: {  	v36 =	vshll.u32 v36, v1;
	v44 =	vor.u32 v2, v17;
	v17 =	vbroadcast v31, $0x0;
	v43 =	vld [tilespmem:s26+$0xFFFFFF10];
	[tilespmem:v46+s21+$0x0] =	vst.idx.msk $0xffff, v41;
	s26 =	sadd.s32 $0x200, s26  }
0xd9: {  	v33 =	vshll.u32 v33, v1;
	v31 =	vbroadcast v36, $0x0;
	v36 =	vld [tilespmem:s26+$0xE0];
	v41 =	vor.u32 v15, v42;
	[tilespmem:v18+s21+$0x0] =	vst.idx.msk $0xffff, v37  }
0xda: {  	v29 =	vshll.u32 v29, v1;
	v33 =	vbroadcast v33, $0x0;
	v37 =	vor.u32 v0, v17;
	v18 =	vld [tilespmem:s26+$0xFFFFFF00];
	[tilespmem:v19+s21+$0x0] =	vst.idx.msk $0xffff, v38  }
0xdb: {  	v28 =	vshll.u32 v28, v1;
	v29 =	vbroadcast v29, $0x0;
	v38 =	vor.u32 v3, v31;
	v19 =	vld [tilespmem:s26+$0xFFFFFF20];
	[tilespmem:v20+s21+$0x0] =	vst.idx.msk $0xffff, v39  }
0xdc: {  	v22 =	vshrl.u32 v22, $0x3;
	v28 =	vbroadcast v28, $0x0;
	v39 =	vor.u32 v5, v33;
	v20 =	vld [tilespmem:s26+$0xFFFFFF40];
	[tilespmem:v21+s21+$0x0] =	vst.idx.msk $0xffff, v40  }
0xdd: {  	v27 =	vshll.u32 v27, v1;
	v23 =	vshrl.u32 v23, $0x3;
	v40 =	vor.u32 v7, v29;
	v21 =	vld [tilespmem:s26+$0xFFFFFF60];
	[tilespmem:v44+s21+$0x0] =	vst.idx.msk $0xffff, v43  }
0xde: {  	v25 =	vshll.u32 v25, v1;
	v27 =	vbroadcast v27, $0x0;
	v44 =	vor.u32 v9, v28;
	v43 =	vld [tilespmem:s26+$0xFFFFFF80];
	[tilespmem:v41+s21+$0x0] =	vst.idx.msk $0xffff, v36  }
0xdf: {  	v25 =	vbroadcast v25, $0x0;
	v36 =	vor.u32 v16, v42;
	[tilespmem:v37+s21+$0x0] =	vst.idx.msk $0xffff, v18;
	v18 =	vshll.u32 v26, v1;
	v26 =	vld [tilespmem:s26+$0xF0]  }
0xe0: {  	v37 =	vor.u32 v11, v27;
	[tilespmem:v38+s21+$0x0] =	vst.idx.msk $0xffff, v19;
	v19 =	vld [tilespmem:s26+$0xFFFFFFA0];
	v41 =	vbroadcast v18, $0x0;
	v18 =	vshll.u32 v24, v1  }
0xe1: {  	v24 =	vor.u32 v13, v25;
	[tilespmem:v39+s21+$0x0] =	vst.idx.msk $0xffff, v20;
	v20 =	vld [tilespmem:s26+$0xFFFFFFC0];
	v45 =	vbroadcast v18, $0x0;
	v18 =	vshll.u32 v34, v1  }
0xe2: {  	[tilespmem:v40+s21+$0x0] =	vst.idx.msk $0xffff, v21;
	v21 =	vld [tilespmem:s26+$0xFFFFFFE0];
	v34 =	vor.u32 v15, v41;
	v46 =	vbroadcast v18, $0x0;
	v18 =	vshll.u32 v35, v1  }
0xe3: {  	[tilespmem:v44+s21+$0x0] =	vst.idx.msk $0xffff, v43;
	v35 =	vld [tilespmem:s26+$0x0];
	v38 =	vor.u32 v0, v45;
	v47 =	vbroadcast v18, $0x0;
	v18 =	vshll.u32 v30, v1  }
0xe4: {  	v32 =	vshll.u32 v32, v1;
	v30 =	vld [tilespmem:s26+$0x20];
	v39 =	vor.u32 v3, v46;
	v18 =	vbroadcast v18, $0x0;
	[tilespmem:v36+s21+$0x0] =	vst.idx.msk $0xffff, v26  }
0xe5: {  	v22 =	vshll.u32 v22, v1;
	[tilespmem:v37+s21+$0x0] =	vst.idx.msk $0xffff, v19;
	v26 =	vld [tilespmem:s26+$0x40];
	v36 =	vor.u32 v5, v47;
	v19 =	vbroadcast v32, $0x0  }
0xe6: {  	[tilespmem:v24+s21+$0x0] =	vst.idx.msk $0xffff, v20;
	v24 =	vld [tilespmem:s26+$0x60];
	v32 =	vor.u32 v7, v18;
	v20 =	vbroadcast v22, $0x0;
	v22 =	vshll.u32 v23, v1  }
0xe7: {  	s29 =	sadd.s32 $0x1, s28;
	v23 =	vmov s28;
	[tilespmem:v34+s21+$0x0] =	vst.idx.msk $0xffff, v21;
	v37 =	vld [tilespmem:s26+$0x80];
	v40 =	vor.u32 v9, v19;
	v21 =	vbroadcast v22, $0x0  }
0xe8: {  	s30 =	sadd.s32 $0x3, s28;
	v43 =	vmov s29;
	s29 =	sadd.s32 $0x2, s28;
	v23 =	vshrl.u32 v23, $0x3;
	[tilespmem:v38+s21+$0x0] =	vst.idx.msk $0xffff, v35;
	v22 =	vld [tilespmem:s26+$0xA0];
	v38 =	vor.u32 v11, v20  }
0xe9: {  	v48 =	vmov s30;
	s30 =	sadd.s32 $0x5, s28;
	v44 =	vmov s29;
	s29 =	sadd.s32 $0x4, s28;
	[tilespmem:v39+s21+$0x0] =	vst.idx.msk $0xffff, v30;
	v39 =	vld [tilespmem:s26+$0xC0];
	v42 =	vor.u32 v13, v21  }
0xea: {  	v50 =	vmov s30;
	s30 =	sadd.s32 $0x7, s28;
	v52 =	vor.u32 v4, v31;
	v49 =	vmov s29;
	s29 =	sadd.s32 $0x6, s28;
	v51 =	vld [tilespmem:s26+$0xFFFFFF30];
	[tilespmem:v36+s21+$0x0] =	vst.idx.msk $0xffff, v26  }
0xeb: {  	v53 =	vmov s30;
	s30 =	sadd.s32 $0x9, s28;
	v55 =	vor.u32 v6, v33;
	v26 =	vmov s29;
	s29 =	sadd.s32 $0x8, s28;
	v54 =	vld [tilespmem:s26+$0xFFFFFF50];
	[tilespmem:v32+s21+$0x0] =	vst.idx.msk $0xffff, v24  }
0xec: {  	v57 =	vor.u32 v8, v29;
	v34 =	vmov s30;
	s30 =	sadd.s32 $0xB, s28;
	v24 =	vmov s29;
	s29 =	sadd.s32 $0xA, s28;
	v56 =	vld [tilespmem:s26+$0xFFFFFF70];
	[tilespmem:v40+s21+$0x0] =	vst.idx.msk $0xffff, v37  }
0xed: {  	v58 =	vor.u32 v10, v28;
	v30 =	vmov s30;
	s30 =	sadd.s32 $0xD, s28;
	v35 =	vmov s29;
	s29 =	sadd.s32 $0xC, s28;
	v40 =	vld [tilespmem:s26+$0xFFFFFF90];
	[tilespmem:v38+s21+$0x0] =	vst.idx.msk $0xffff, v22  }
0xee: {  	v60 =	vor.u32 v12, v27;
	v32 =	vmov s29;
	v22 =	vmov s30;
	s29 =	sadd.s32 $0xE, s28;
	v59 =	vld [tilespmem:s26+$0xFFFFFFB0];
	[tilespmem:v42+s21+$0x0] =	vst.idx.msk $0xffff, v39  }
.Ltmp6:
0xef: {  	v31 =	vshll.u32 v23, v1;
	v23 =	vmov s29;
	v42 =	vor.u32 v14, v25;
	[tilespmem:v52+s21+$0x0] =	vst.idx.msk $0xffff, v51;
	v37 =	vld [tilespmem:s26+$0xFFFFFFD0];
	(pc) =	sbr.rel @p0 .LBB2_12-.Ltmp6, $4  }
0xf0: {  	v33 =	vshrl.u32 v44, $0x3;
	v36 =	vshrl.u32 v43, $0x3;
	v43 =	vor.u32 v16, v41;
	[tilespmem:v55+s21+$0x0] =	vst.idx.msk $0xffff, v54;
	v38 =	vld [tilespmem:s26+$0xFFFFFFF0]  }
0xf1: {  	v29 =	vshrl.u32 v48, $0x3;
	v44 =	vor.u32 v2, v45;
	v28 =	vshrl.u32 v49, $0x3;
	[tilespmem:v57+s21+$0x0] =	vst.idx.msk $0xffff, v56;
	v39 =	vld [tilespmem:s26+$0x10]  }
0xf2: {  	v27 =	vshrl.u32 v50, $0x3;
	v45 =	vor.u32 v4, v46;
	v25 =	vshrl.u32 v26, $0x3;
	[tilespmem:v58+s21+$0x0] =	vst.idx.msk $0xffff, v40;
	v40 =	vld [tilespmem:s26+$0x30]  }
0xf3: {  	v46 =	vor.u32 v6, v47;
	v24 =	vshrl.u32 v24, $0x3;
	v26 =	vshrl.u32 v53, $0x3;
	s29 =	sadd.s32 $0xF, s28;
	s28 =	sadd.s32 $0x10, s28;
	[tilespmem:v60+s21+$0x0] =	vst.idx.msk $0xffff, v59;
	v41 =	vld [tilespmem:s26+$0x50]  }
0xf4: {  	_ =	sdelay $0x2  }
0xf5: {  	v34 =	vshrl.u32 v34, $0x3  }
0xf6: {  	v47 =	vmov s29;
	[tilespmem:v42+s21+$0x0] =	vst.idx.msk $0xffff, v37;
	v52 =	vld [tilespmem:s26+$0x70];
	v53 =	vor.u32 v8, v18;
	v19 =	vor.u32 v10, v19  }
0xf7: {  	v54 =	vld [tilespmem:s26+$0x90];
	v30 =	vshrl.u32 v30, $0x3;
	v20 =	vor.u32 v12, v20;
	v21 =	vor.u32 v14, v21;
	[tilespmem:v43+s21+$0x0] =	vst.idx.msk $0xffff, v38  }
0xf8: {  	v55 =	vld [tilespmem:s26+$0xB0];
	v32 =	vshrl.u32 v32, $0x3;
	v58 =	vshll.u32 v36, v1;
	v29 =	vshll.u32 v29, v1;
	[tilespmem:v44+s21+$0x0] =	vst.idx.msk $0xffff, v39  }
0xf9: {  	v57 =	vld [tilespmem:s26+$0xD0];
	v33 =	vshll.u32 v33, v1;
	v18 =	vshrl.u32 v47, $0x3;
	v29 =	vbroadcast v29, $0x0;
	[tilespmem:v45+s21+$0x0] =	vst.idx.msk $0xffff, v40  }
0xfa: {  	v59 =	vld [tilespmem:s26+$0xFFFFFF10];
	v17 =	vor.u32 v2, v17;
	s29 =	sadd.s32 $0x200, s26;
	v33 =	vbroadcast v33, $0x0;
	v18 =	vshll.u32 v18, v1;
	[tilespmem:v46+s21+$0x0] =	vst.idx.msk $0xffff, v41  }
0xfb: {  	v28 =	vshll.u32 v28, v1;
	v48 =	vld [tilespmem:s29+$0xFFFFFF60];
	v56 =	vbroadcast v18, $0x0;
	v49 =	vor.u32 v7, v29;
	[tilespmem:v53+s21+$0x0] =	vst.idx.msk $0xffff, v52  }
0xfc: {  	v27 =	vshll.u32 v27, v1;
	v18 =	vbroadcast v31, $0x0;
	v47 =	vor.u32 v5, v33;
	v46 =	vld [tilespmem:s29+$0xFFFFFF40];
	[tilespmem:v19+s21+$0x0] =	vst.idx.msk $0xffff, v54  }
0xfd: {  	v23 =	vshrl.u32 v23, $0x3;
	v60 =	vld [tilespmem:s29+$0xE0];
	v31 =	vbroadcast v58, $0x0;
	v61 =	vor.u32 v15, v56;
	[tilespmem:v20+s21+$0x0] =	vst.idx.msk $0xffff, v55  }
0xfe: {  	v25 =	vshll.u32 v25, v1;
	v62 =	vld [tilespmem:s29+$0xFFFFFF00];
	v28 =	vbroadcast v28, $0x0;
	v63 =	vor.u32 v0, v18;
	[tilespmem:v21+s21+$0x0] =	vst.idx.msk $0xffff, v57  }
0xff: {  	v26 =	vshll.u32 v26, v1;
	v25 =	vbroadcast v25, $0x0;
	v19 =	vld [tilespmem:s29+$0xFFFFFF20];
	v45 =	vor.u32 v3, v31;
	[tilespmem:v17+s21+$0x0] =	vst.idx.msk $0xffff, v59  }
0x100: {  	v26 =	vbroadcast v26, $0x0;
	v23 =	vshll.u32 v23, v1;
	v50 =	vor.u32 v9, v28;
	v17 =	vld [tilespmem:s29+$0xFFFFFF80];
	[tilespmem:v49+s21+$0x0] =	vst.idx.msk $0xffff, v48  }
0x101: {  	v24 =	vshll.u32 v24, v1;
	v23 =	vbroadcast v23, $0x0;
	v54 =	vld [tilespmem:s29+$0xFFFFFFC0];
	v55 =	vor.u32 v13, v25;
	[tilespmem:v47+s21+$0x0] =	vst.idx.msk $0xffff, v46  }
0x102: {  	v27 =	vbroadcast v27, $0x0;
	v52 =	vor.u32 v16, v56;
	v56 =	vld [tilespmem:s29+$0xFFFFFFE0];
	v57 =	vor.u32 v15, v26;
	[tilespmem:v61+s21+$0x0] =	vst.idx.msk $0xffff, v60  }
0x103: {  	v24 =	vbroadcast v24, $0x0;
	v34 =	vshll.u32 v34, v1;
	v48 =	vld [tilespmem:s29+$0xC0];
	v49 =	vor.u32 v13, v23;
	[tilespmem:v63+s21+$0x0] =	vst.idx.msk $0xffff, v62  }
0x104: {  	v30 =	vshll.u32 v30, v1;
	v34 =	vbroadcast v34, $0x0;
	v53 =	vor.u32 v11, v27;
	[tilespmem:v45+s21+$0x0] =	vst.idx.msk $0xffff, v19;
	v19 =	vld [tilespmem:s29+$0xFFFFFFA0]  }
0x105: {  	v32 =	vshll.u32 v32, v1;
	v30 =	vbroadcast v30, $0x0;
	v58 =	vor.u32 v0, v24;
	[tilespmem:v50+s21+$0x0] =	vst.idx.msk $0xffff, v17;
	v17 =	vld [tilespmem:s29+$0x0]  }
0x106: {  	v32 =	vbroadcast v32, $0x0;
	v59 =	vld [tilespmem:s29+$0x20];
	v60 =	vor.u32 v3, v34;
	[tilespmem:v55+s21+$0x0] =	vst.idx.msk $0xffff, v54  }
0x107: {  	v35 =	vshrl.u32 v35, $0x3;
	v62 =	vld [tilespmem:s29+$0x60];
	v63 =	vor.u32 v7, v30;
	[tilespmem:v57+s21+$0x0] =	vst.idx.msk $0xffff, v56  }
0x108: {  	v22 =	vshrl.u32 v22, $0x3;
	v35 =	vshll.u32 v35, v1;
	v46 =	vor.u32 v9, v32;
	v45 =	vld [tilespmem:s29+$0x80];
	[tilespmem:v49+s21+$0x0] =	vst.idx.msk $0xffff, v48  }
0x109: {  	v22 =	vshll.u32 v22, v1;
	v35 =	vbroadcast v35, $0x0;
	v51 =	vld [tilespmem:s29+$0xF0];
	[tilespmem:v53+s21+$0x0] =	vst.idx.msk $0xffff, v19  }
0x10a: {  	v22 =	vbroadcast v22, $0x0;
	v31 =	vor.u32 v4, v31;
	v50 =	vld [tilespmem:s29+$0xFFFFFF30];
	[tilespmem:v58+s21+$0x0] =	vst.idx.msk $0xffff, v17  }
0x10b: {  	v61 =	vor.u32 v5, v35;
	v19 =	vld [tilespmem:s29+$0x40];
	[tilespmem:v60+s21+$0x0] =	vst.idx.msk $0xffff, v59  }
0x10c: {  	v47 =	vor.u32 v11, v22;
	v17 =	vld [tilespmem:s29+$0xA0];
	[tilespmem:v63+s21+$0x0] =	vst.idx.msk $0xffff, v62  }
0x10d: {  	v25 =	vor.u32 v14, v25;
	[tilespmem:v46+s21+$0x0] =	vst.idx.msk $0xffff, v45;
	v53 =	vld [tilespmem:s29+$0xFFFFFFD0]  }
0x10e: {  	v23 =	vor.u32 v14, v23;
	v62 =	vld [tilespmem:s29+$0xD0];
	[tilespmem:v52+s21+$0x0] =	vst.idx.msk $0xffff, v51  }
0x10f: {  	v18 =	vor.u32 v2, v18;
	v63 =	vld [tilespmem:s29+$0xFFFFFF10];
	[tilespmem:v31+s21+$0x0] =	vst.idx.msk $0xffff, v50  }
0x110: {  	v33 =	vor.u32 v6, v33;
	[tilespmem:v61+s21+$0x0] =	vst.idx.msk $0xffff, v19;
	v19 =	vld [tilespmem:s29+$0xFFFFFF50]  }
0x111: {  	v29 =	vor.u32 v8, v29;
	v51 =	vld [tilespmem:s29+$0xFFFFFF70];
	[tilespmem:v47+s21+$0x0] =	vst.idx.msk $0xffff, v17  }
0x112: {  	v28 =	vor.u32 v10, v28;
	v52 =	vld [tilespmem:s29+$0xFFFFFF90];
	[tilespmem:v25+s21+$0x0] =	vst.idx.msk $0xffff, v53  }
0x113: {  	v24 =	vor.u32 v2, v24;
	v54 =	vld [tilespmem:s29+$0x10];
	[tilespmem:v23+s21+$0x0] =	vst.idx.msk $0xffff, v62  }
0x114: {  	v27 =	vor.u32 v12, v27;
	v17 =	vld [tilespmem:s29+$0xFFFFFFB0];
	[tilespmem:v18+s21+$0x0] =	vst.idx.msk $0xffff, v63  }
0x115: {  	v26 =	vor.u32 v16, v26;
	[tilespmem:v33+s21+$0x0] =	vst.idx.msk $0xffff, v19;
	v19 =	vld [tilespmem:s29+$0xFFFFFFF0]  }
0x116: {  	v56 =	vor.u32 v4, v34;
	v55 =	vld [tilespmem:s29+$0x30];
	[tilespmem:v29+s21+$0x0] =	vst.idx.msk $0xffff, v51  }
0x117: {  	v59 =	vor.u32 v8, v30;
	v58 =	vld [tilespmem:s29+$0x70];
	[tilespmem:v28+s21+$0x0] =	vst.idx.msk $0xffff, v52  }
0x118: {  	v22 =	vor.u32 v12, v22;
	[tilespmem:v24+s21+$0x0] =	vst.idx.msk $0xffff, v54;
	v61 =	vld [tilespmem:s29+$0xB0]  }
0x119: {  	v57 =	vor.u32 v6, v35;
	[tilespmem:v27+s21+$0x0] =	vst.idx.msk $0xffff, v17;
	v17 =	vld [tilespmem:s29+$0x50]  }
0x11a: {  	s24 =	sadd.s32 $0x1, s24;
	v60 =	vor.u32 v10, v32;
	[tilespmem:v26+s21+$0x0] =	vst.idx.msk $0xffff, v19;
	v19 =	vld [tilespmem:s29+$0x90]  }
0x11b: {  	p0 =	sne.s32 s24, $0x64;
	[tilespmem:v56+s21+$0x0] =	vst.idx.msk $0xffff, v55  }
.Ltmp7:
0x11c: {  	s30 =	sshll.u32 s25, $0x7;
	[tilespmem:v59+s21+$0x0] =	vst.idx.msk $0xffff, v58;
	(pc) =	sbr.rel @p0 .LBB2_2-.Ltmp7, $4  }
0x11d: {  	s31 =	sshll.u32 s25, $0x9;
	s26 =	sand.u32 $0x3F80, s30;
	[tilespmem:v22+s21+$0x0] =	vst.idx.msk $0xffff, v61  }
0x11e: {  	s25 =	sand.u32 $0xFFF0000, s31;
	s26 =	sadd.s32 s2, s26;
	[tilespmem:v57+s21+$0x0] =	vst.idx.msk $0xffff, v17  }
0x11f: {  	s25 =	sadd.s32 s25, s26;
	[tilespmem:v60+s21+$0x0] =	vst.idx.msk $0xffff, v19  }
0x120: {  	[hbm4b:s25+s17] =	stream.strided.scatter [tilespmem:s21], [sflag:$0x6], $0x1000, s18, s17, $0x38;
	[tilespmem:$0x4100] =	vst v63  }
0x121: {  	s23 =	sadd.s32 $0x1, s23  }
0x122: {  	_ =	swait.ge [sflag:s22], $0x1000;
	p0 =	sne.s32 s23, s8  }
.Ltmp8:
0x123: {  	[sflag:s22] =	ssyncset.done $0x0;
	(pc) =	sbr.rel @p0 .LBB2_1-.Ltmp8, $4  }
0x124: {  	[sflag:s22] =	ssyncadd.s32 $0xFFFFF000  }
0x125: {  	_ =	swait.ge [sflag:s20], $0x1000  }
0x126: {  	[sflag:s20] =	ssyncset.done $0x0  }
0x127: {  	[sflag:s20] =	ssyncadd.s32 $0xFFFFF000  }
0x128: {  	_ =	sfence.sel $0x180000  }
0x129: {  	[bflag:$0x0] =	sbarrier.arrive $0xFFFF  }
0x12a: {  	p0 =	sne.s32 s0, $0x0;
	_ =	strace $0x90000047  }
0x12b: {  	s0 =	sadd.s32 @!p0 $0x100000, s1;
	[bflag:$0x2] =	sbarrier.arrive $0xFFFF  }
0x12c: {  	[sflag:s0] =	ssyncadd.tile.s32 @!p0 $0x1;
	_ =	shalt  }
.Lfunc_end2:
_tile_overlayer_lowered:
.L_overlay_start_2:
0x12d: {  	(tag) =	ssettag $0x2  }
0x12e: {  	s0 =	rddreg [dreg:$0x0];
	s2 =	stileid.u32  }
0x12f: {  	s1 =	rddreg [dreg:$0x1];
	p0 =	sne.s32 s2, $0x0  }
0x130: {  	s3 =	rddreg [dreg:$0x2];
	[bflag:$0x3] =	sbarrier.arrive $0xFFFF;
	s2 =	simm.s32 @!p0 $0x1C07  }
0x131: {  	[timem:s3], [sflag:s2] =	dma.local @!p0 [hbm:s0], s1  }
0x132: {  	s0 =	simm.s32 @!p0 $0x7  }
0x133: {  	_ =	swait.ge @!p0 [sflag:s0], s1  }
0x134: {  	s1 =	ssub.s32 @!p0 $0x0, s1;
	[sflag:s0] =	ssyncset.done @!p0 $0x0  }
0x135: {  	[sflag:s0] =	ssyncadd.s32 @!p0 s1  }
0x136: {  	[bflag:$0x3] =	sbarrier.arrive $0xFFFF  }
0x137: {  	_ =	shalt  }

</sc_bundles>
